<compile_context>
chip_gen: v7x
topology: tpu7x:2x2x1
jax: 0.10.2.dev20260603
libtpu: 0.0.44.dev20260713+nightly
codegen_flags: <defaults>
</compile_context>

<pallas_src>
import functools

import jax
import jax.numpy as jnp
import numpy as _np
from jax.experimental import pallas as pl
from jax.experimental.pallas import tpu as pltpu
from jax.experimental.pallas import tpu_sc as plsc

N = 50000
K = 16
NG = 32
DE = 12
DF = 64
DP = 64

B = 512
N_PAD = 50176
PAD = N_PAD - N
GRID = N_PAD // B
EB = B * K
E_PAD = N_PAD * K

PB = 2000
PGRID = N // PB

NW = 32
PER_W = E_PAD // NW
CHUNK = 3136

_p = _np.arange(EB)
_q = (_p % 8) * (EB // 8) + _p // 8
_PERM = ((_q % B) * K + _q // B).astype(_np.int32)


def _pack_body(idx_ref, pc_ref, table_ref, pack_ref):
    idx = idx_ref[0]
    cats = jax.lax.broadcasted_iota(jnp.int32, (39, 1), 0)
    oh = (cats == idx).astype(jnp.float32)
    attr = jax.lax.dot_general(
        oh, table_ref[...], (((0,), (0,)), ((), ())),
        preferred_element_type=jnp.float32)
    pad = jnp.zeros((PB, 1), jnp.float32)
    pack_ref[...] = jnp.concatenate([pc_ref[...], pad, attr], axis=-1)


def _pack(pc, table, attr_idx):
    return pl.pallas_call(
        _pack_body,
        grid=(PGRID,),
        in_specs=[
            pl.BlockSpec((1, 1, PB), lambda i: (i, 0, 0)),
            pl.BlockSpec((PB, 3), lambda i: (i, 0)),
            pl.BlockSpec((39, DE), lambda i: (0, 0)),
        ],
        out_specs=pl.BlockSpec((PB, 16), lambda i: (i, 0)),
        out_shape=jax.ShapeDtypeStruct((N, 16), jnp.float32),
    )(attr_idx.reshape(PGRID, 1, PB), pc, table)


def _gather(pack, nbr_flat):
    mesh = plsc.VectorSubcoreMesh(core_axis_name="c", subcore_axis_name="s")

    @functools.partial(
        pl.kernel,
        mesh=mesh,
        out_type=jax.ShapeDtypeStruct((E_PAD, 16), jnp.float32),
        scratch_types=[
            pltpu.VMEM((CHUNK,), jnp.int32),
            pltpu.VMEM((CHUNK,), jnp.int32),
            pltpu.VMEM((CHUNK, 16), jnp.float32),
            pltpu.VMEM((CHUNK, 16), jnp.float32),
            pltpu.SemaphoreType.DMA,
            pltpu.SemaphoreType.DMA,
            pltpu.SemaphoreType.DMA,
        ],
        compiler_params=pltpu.CompilerParams(use_tc_tiling_on_sc=False),
    )
    def k(pack_hbm, idx_hbm, out_hbm, i0, i1, r0, r1, sg, so0, so1):
        wid = jax.lax.axis_index("s") * 2 + jax.lax.axis_index("c")
        base = wid * PER_W
        idxs, rows, sos = (i0, i1), (r0, r1), (so0, so1)
        outcp = [None, None]
        for c in range(PER_W // CHUNK):
            b = c & 1
            if outcp[b] is not None:
                outcp[b].wait()
            pltpu.sync_copy(idx_hbm.at[pl.ds(base + c * CHUNK, CHUNK)],
                            idxs[b])
            pltpu.async_copy(pack_hbm.at[idxs[b]], rows[b], sg).wait()
            outcp[b] = pltpu.async_copy(
                rows[b], out_hbm.at[pl.ds(base + c * CHUNK, CHUNK)], sos[b])
        outcp[0].wait()
        outcp[1].wait()

    return k(pack, nbr_flat)


def _main_body(gath_ref, pcT_ref, wcT_ref, wattT_ref, wfT_ref, coefT_ref,
               centT_ref, m_ref, out_ref, psum_ref, psq_ref):
    i = pl.program_id(0)
    blk = gath_ref[...]
    blkT = blk.T
    x16T = jnp.concatenate([blkT[16 * j:16 * (j + 1), :] for j in range(8)],
                           axis=1)
    pcnT = x16T[0:3, :]
    pcrT = jnp.concatenate([pcT_ref[...]] * K, axis=1)
    relT = pcnT - pcrT
    d2 = jnp.dot(m_ref[...], relT * relT,
                 preferred_element_type=jnp.float32)
    d = jnp.sqrt(d2 + 1e-6)
    gT = jnp.exp(coefT_ref[...] * (d - centT_ref[...]) ** 2)
    xT = jnp.concatenate([gT, x16T], axis=0)
    yT = jnp.maximum(
        jnp.dot(wcT_ref[...], xT, preferred_element_type=jnp.float32), 0.0)
    lg = jnp.dot(wattT_ref[...], yT,
                 preferred_element_type=jnp.float32)
    u = jnp.exp(lg)
    wT = yT * u
    t = wT[:, 0:B]
    den = u[:, 0:B]
    for k in range(1, K):
        t = t + wT[:, k * B:(k + 1) * B]
        den = den + u[:, k * B:(k + 1) * B]
    pooledT = jnp.dot(wfT_ref[...], t / den,
                      preferred_element_type=jnp.float32)
    pooled = pooledT.T
    rows = jax.lax.broadcasted_iota(jnp.int32, (B, 1), 0)
    valid = jnp.where(i == GRID - 1, B - PAD, B)
    pm = pooled * (rows < valid).astype(jnp.float32)
    out_ref[...] = pooled
    psum_ref[...] = jnp.sum(pm, axis=0, keepdims=True).reshape(1, 1, DP)
    psq_ref[...] = jnp.sum(pm * pm, axis=0,
                           keepdims=True).reshape(1, 1, DP)


def _main(gathered, pcT, wcT, wattT, wfT, coefT, centT, msk):
    return pl.pallas_call(
        _main_body,
        grid=(GRID,),
        in_specs=[
            pl.BlockSpec((EB // 8, 128), lambda i: (i, 0)),
            pl.BlockSpec((3, B), lambda i: (0, i)),
            pl.BlockSpec((DF, 48), lambda i: (0, 0)),
            pl.BlockSpec((1, DF), lambda i: (0, 0)),
            pl.BlockSpec((DP, DF), lambda i: (0, 0)),
            pl.BlockSpec((NG, 1), lambda i: (0, 0)),
            pl.BlockSpec((NG, 1), lambda i: (0, 0)),
            pl.BlockSpec((1, 3), lambda i: (0, 0)),
        ],
        out_specs=[
            pl.BlockSpec((B, DP), lambda i: (i, 0)),
            pl.BlockSpec((1, 1, DP), lambda i: (i, 0, 0)),
            pl.BlockSpec((1, 1, DP), lambda i: (i, 0, 0)),
        ],
        out_shape=[
            jax.ShapeDtypeStruct((N_PAD, DP), jnp.float32),
            jax.ShapeDtypeStruct((GRID, 1, DP), jnp.float32),
            jax.ShapeDtypeStruct((GRID, 1, DP), jnp.float32),
        ],
    )(gathered, pcT, wcT, wattT, wfT, coefT, centT, msk)


def _bn_body(x_ref, ps_ref, pq_ref, gamma_ref, beta_ref, out_ref):
    s = jnp.sum(ps_ref[...], axis=0)
    q = jnp.sum(pq_ref[...], axis=0)
    mean = s / N
    var = q / N - mean * mean
    inv = jax.lax.rsqrt(var + 1e-5)
    out_ref[...] = jnp.maximum(
        (x_ref[...] - mean) * inv * gamma_ref[...] + beta_ref[...], 0.0)


def _bn(pooled_pad, psum, psq, gamma, beta):
    return pl.pallas_call(
        _bn_body,
        grid=(PGRID,),
        in_specs=[
            pl.BlockSpec((PB, DP), lambda i: (i, 0)),
            pl.BlockSpec((GRID, 1, DP), lambda i: (0, 0, 0)),
            pl.BlockSpec((GRID, 1, DP), lambda i: (0, 0, 0)),
            pl.BlockSpec((1, DP), lambda i: (0, 0)),
            pl.BlockSpec((1, DP), lambda i: (0, 0)),
        ],
        out_specs=pl.BlockSpec((PB, DP), lambda i: (i, 0)),
        out_shape=jax.ShapeDtypeStruct((N, DP), jnp.float32),
    )(pooled_pad, psum, psq, gamma.reshape(1, DP), beta.reshape(1, DP))


@jax.jit
def kernel(pc, table, centers, sigmas, W1, W2, W_att, W_feat, gamma, beta,
           attr_idx, nbr):
    pack = _pack(pc, table, attr_idx.astype(jnp.int32))
    nbr_pad = jnp.concatenate(
        [nbr.reshape(-1).astype(jnp.int32), jnp.zeros(PAD * K, jnp.int32)])
    idxp = nbr_pad.reshape(GRID, EB)[:, _PERM].reshape(-1)
    gathered = _gather(pack, idxp)
    gathered = gathered.reshape(E_PAD // 8, 128)
    wc = jnp.concatenate([W1, jnp.zeros((4, DF), jnp.float32), W2], axis=0)
    pcT = jnp.concatenate([pc, jnp.zeros((PAD, 3), jnp.float32)], axis=0).T
    coefT = (-0.5 / (sigmas * sigmas)).reshape(NG, 1)
    centT = centers.reshape(NG, 1)
    pooled_pad, psum, psq = _main(
        gathered, pcT, wc.T, W_att.T, W_feat.T, coefT, centT,
        jnp.ones((1, 3), jnp.float32))
    return _bn(pooled_pad, psum, psq, gamma, beta)

# --- scband reference (transcript-rebuilt; emitter-appended) ---
"""Pipeline reference for scband-s2-site-18090402250770 (READ-ONLY COPY).

The authoritative reference and input builder live on the scoring server;
editing this copy changes nothing except your own understanding.
"""

import jax, jax.numpy as jnp
import numpy as np

N = 50000
K = 16
NCAT = 38
DE = 12
NG = 32
DF = 64
DP = 64


def setup_inputs(seed: int = 0) -> dict:
    key = jax.random.key(seed)
    ks = jax.random.split(key, 12)
    pc = jax.random.normal(ks[0], (N, 3), dtype=jnp.float32) * 10.0
    attr_idx = jax.random.randint(ks[1], (N,), 0, NCAT + 1)
    nbr = jax.random.randint(ks[2], (N, K), 0, N)
    table = jax.random.normal(ks[3], (NCAT + 1, DE), dtype=jnp.float32) * 0.1
    centers = jnp.linspace(0.0, 10.0, NG).astype(jnp.float32)
    sigmas = jnp.ones((NG,), dtype=jnp.float32)
    W1 = jax.random.normal(ks[4], (NG, DF), dtype=jnp.float32) * 0.1
    W2 = jax.random.normal(ks[5], (DE, DF), dtype=jnp.float32) * 0.1
    W_att = jax.random.normal(ks[6], (DF, 1), dtype=jnp.float32) * 0.1
    W_feat = jax.random.normal(ks[7], (DF, DP), dtype=jnp.float32) * 0.1
    gamma = jnp.ones((DP,), dtype=jnp.float32)
    beta = jnp.zeros((DP,), dtype=jnp.float32)
    return {
        'pc': pc, 'table': table, 'centers': centers, 'sigmas': sigmas,
        'W1': W1, 'W2': W2, 'W_att': W_att, 'W_feat': W_feat,
        'gamma': gamma, 'beta': beta, 'attr_idx': attr_idx, 'nbr': nbr,
    }


def reference(pc, table, centers, sigmas, W1, W2, W_att, W_feat, gamma, beta, attr_idx, nbr):
    # 1) categorical attribute embedding (embeddings.embedding_initializer + embed_attr)
    attr = jnp.take(table, attr_idx, axis=0)                      # [N, DE]
    # 2) neighborhood gather (Neighborhood_Computation, K_neighbor=16)
    pc_nb = jnp.take(pc, nbr, axis=0)                             # [N, K, 3]
    rel = pc_nb - pc[:, None, :]                                  # local frame offsets
    d = jnp.sqrt(jnp.sum(rel * rel, axis=-1) + 1e-6)              # [N, K]
    # 3) Gaussian kernel neighborhood embedding (embeddings.GaussianKernel)
    g = jnp.exp(-0.5 * ((d[..., None] - centers) / sigmas) ** 2)  # [N, K, NG]
    nb_attr = jnp.take(attr, nbr, axis=0)                         # [N, K, DE]
    y = jax.nn.relu(g @ W1 + nb_attr @ W2)                        # [N, K, DF]
    # 4) attention pooling over the neighborhood (Attention_Layer)
    logits = (y @ W_att)[..., 0]                                  # [N, K]
    a = jax.nn.softmax(logits, axis=-1)                           # [N, K]
    f = y @ W_feat                                                # [N, K, DP]
    pooled = jnp.sum(a[..., None] * f, axis=1)                    # [N, DP]
    # 5) batch norm over the node axis + ReLU (MaskedBatchNorm1d + act)
    mean = jnp.mean(pooled, axis=0)
    var = jnp.var(pooled, axis=0)
    out = (pooled - mean) / jnp.sqrt(var + 1e-5) * gamma + beta
    return jax.nn.relu(out)

if __name__ == "__main__":
    import jax
    _d = setup_inputs()
    print(jax.jit(kernel)(*tuple(_d.values())))

</pallas_src>

<mosaic_0001>
#map = affine_map<(d0, d1) -> (0, 0)>
#map1 = affine_map<(d0, d1) -> (0)>
module attributes {stable_mosaic.version = 14 : i64} {
  func.func @k(%arg0: i32, %arg1: i32, %arg2: memref<50000x16xf32, #tpu.memory_space<hbm>>, %arg3: memref<802816xi32, #tpu.memory_space<hbm>>, %arg4: memref<802816x16xf32, #tpu.memory_space<hbm>>, %arg5: memref<3136xi32, #tpu.memory_space<vmem>>, %arg6: memref<3136xi32, #tpu.memory_space<vmem>>, %arg7: memref<3136x16xf32, #tpu.memory_space<vmem>>, %arg8: memref<3136x16xf32, #tpu.memory_space<vmem>>, %arg9: memref<!tpu.dma_semaphore, #tpu.memory_space<semaphore_mem>>, %arg10: memref<!tpu.dma_semaphore, #tpu.memory_space<semaphore_mem>>, %arg11: memref<!tpu.dma_semaphore, #tpu.memory_space<semaphore_mem>>) attributes {dimension_semantics = [#tpu.dimension_semantics<core_parallel>, #tpu.dimension_semantics<subcore_parallel>], iteration_bounds = array<i64: 2, 16>, scalar_prefetch = 0 : i64, scratch_operands = 7 : i64, tpu.core_type = #tpu.core_type<sc_vector_subcore>, window_params = [{transform_indices = #map}, {transform_indices = #map1}, {transform_indices = #map}]} {
    %mul3A = arith.constant 2 : i32
    %mul3A_0 = arith.muli %arg1, %mul3A : i32
    %add3A = arith.addi %mul3A_0, %arg0 : i32
    %mul3A_1 = arith.constant 25088 : i32
    %mul3A_2 = arith.muli %add3A, %mul3A_1 : i32
    %add3A_3 = arith.constant 0 : i32
    %add3A_4 = arith.addi %mul3A_2, %add3A_3 : i32
    "tpu.region"() ({
      %run_scoped3A = tpu.sem_alloc : memref<!tpu.dma_semaphore, #tpu.memory_space<semaphore_mem>>
      %dma_start3A_145 = tpu.memref_slice %arg3[%add3A_4] : memref<802816xi32, #tpu.memory_space<hbm>> -> memref<3136xi32, #tpu.memory_space<hbm>>
      %dma_start3A_146 = tpu.memref_slice %arg3[%add3A_4] : memref<802816xi32, #tpu.memory_space<hbm>> -> memref<3136xi32, #tpu.memory_space<hbm>>
      tpu.enqueue_dma source(%dma_start3A_146 : memref<3136xi32, #tpu.memory_space<hbm>>) target(%arg5 : memref<3136xi32, #tpu.memory_space<vmem>>) target_semaphore(%run_scoped3A : memref<!tpu.dma_semaphore, #tpu.memory_space<semaphore_mem>>)
      %dma_wait3A_147 = tpu.memref_slice %arg3[%add3A_4] : memref<802816xi32, #tpu.memory_space<hbm>> -> memref<3136xi32, #tpu.memory_space<hbm>>
      %dma_wait3A_148 = tpu.memref_slice %arg3[%add3A_4] : memref<802816xi32, #tpu.memory_space<hbm>> -> memref<3136xi32, #tpu.memory_space<hbm>>
      tpu.wait_dma2 semaphore(%run_scoped3A : memref<!tpu.dma_semaphore, #tpu.memory_space<semaphore_mem>>) src(%dma_wait3A_148 : memref<3136xi32, #tpu.memory_space<hbm>>) dst(%arg5 : memref<3136xi32, #tpu.memory_space<vmem>>)
      tpu.yield
    }) : () -> ()
    %dma_start3A = arith.constant 0 : i32
    %dma_start3A_5 = arith.constant 0 : i32
    %dma_start3A_6 = tpu.memref_slice %arg2[%dma_start3A, %dma_start3A_5] : memref<50000x16xf32, #tpu.memory_space<hbm>> -> memref<50000x16xf32, #tpu.memory_space<hbm>>
    tpu.enqueue_indirect_dma source(%dma_start3A_6 : memref<50000x16xf32, #tpu.memory_space<hbm>>) target(%arg7 : memref<3136x16xf32, #tpu.memory_space<vmem>>) offsets(%arg5 : memref<3136xi32, #tpu.memory_space<vmem>>) semaphore(%arg9 : memref<!tpu.dma_semaphore, #tpu.memory_space<semaphore_mem>>)
    %dma_wait3A = arith.constant 0 : i32
    %dma_wait3A_7 = arith.constant 0 : i32
    %dma_wait3A_8 = tpu.memref_slice %arg2[%dma_wait3A, %dma_wait3A_7] : memref<50000x16xf32, #tpu.memory_space<hbm>> -> memref<50000x16xf32, #tpu.memory_space<hbm>>
    tpu.wait_indirect_dma semaphore(%arg9 : memref<!tpu.dma_semaphore, #tpu.memory_space<semaphore_mem>>) src(%dma_wait3A_8 : memref<50000x16xf32, #tpu.memory_space<hbm>>) dst(%arg7 : memref<3136x16xf32, #tpu.memory_space<vmem>>)
    %add3A_9 = arith.constant 0 : i32
    %add3A_10 = arith.addi %mul3A_2, %add3A_9 : i32
    %dma_start3A_11 = arith.constant 0 : i32
    %dma_start3A_12 = tpu.memref_slice %arg4[%add3A_10, %dma_start3A_11] : memref<802816x16xf32, #tpu.memory_space<hbm>> -> memref<3136x16xf32, #tpu.memory_space<hbm>>
    %dma_start3A_13 = arith.constant 0 : i32
    %dma_start3A_14 = tpu.memref_slice %arg4[%add3A_10, %dma_start3A_13] : memref<802816x16xf32, #tpu.memory_space<hbm>> -> memref<3136x16xf32, #tpu.memory_space<hbm>>
    tpu.enqueue_dma source(%arg7 : memref<3136x16xf32, #tpu.memory_space<vmem>>) target(%dma_start3A_14 : memref<3136x16xf32, #tpu.memory_space<hbm>>) target_semaphore(%arg10 : memref<!tpu.dma_semaphore, #tpu.memory_space<semaphore_mem>>)
    %add3A_15 = arith.constant 3136 : i32
    %add3A_16 = arith.addi %mul3A_2, %add3A_15 : i32
    "tpu.region"() ({
      %run_scoped3A = tpu.sem_alloc : memref<!tpu.dma_semaphore, #tpu.memory_space<semaphore_mem>>
      %dma_start3A_145 = tpu.memref_slice %arg3[%add3A_16] : memref<802816xi32, #tpu.memory_space<hbm>> -> memref<3136xi32, #tpu.memory_space<hbm>>
      %dma_start3A_146 = tpu.memref_slice %arg3[%add3A_16] : memref<802816xi32, #tpu.memory_space<hbm>> -> memref<3136xi32, #tpu.memory_space<hbm>>
      tpu.enqueue_dma source(%dma_start3A_146 : memref<3136xi32, #tpu.memory_space<hbm>>) target(%arg6 : memref<3136xi32, #tpu.memory_space<vmem>>) target_semaphore(%run_scoped3A : memref<!tpu.dma_semaphore, #tpu.memory_space<semaphore_mem>>)
      %dma_wait3A_147 = tpu.memref_slice %arg3[%add3A_16] : memref<802816xi32, #tpu.memory_space<hbm>> -> memref<3136xi32, #tpu.memory_space<hbm>>
      %dma_wait3A_148 = tpu.memref_slice %arg3[%add3A_16] : memref<802816xi32, #tpu.memory_space<hbm>> -> memref<3136xi32, #tpu.memory_space<hbm>>
      tpu.wait_dma2 semaphore(%run_scoped3A : memref<!tpu.dma_semaphore, #tpu.memory_space<semaphore_mem>>) src(%dma_wait3A_148 : memref<3136xi32, #tpu.memory_space<hbm>>) dst(%arg6 : memref<3136xi32, #tpu.memory_space<vmem>>)
      tpu.yield
    }) : () -> ()
    %dma_start3A_17 = arith.constant 0 : i32
    %dma_start3A_18 = arith.constant 0 : i32
    %dma_start3A_19 = tpu.memref_slice %arg2[%dma_start3A_17, %dma_start3A_18] : memref<50000x16xf32, #tpu.memory_space<hbm>> -> memref<50000x16xf32, #tpu.memory_space<hbm>>
    tpu.enqueue_indirect_dma source(%dma_start3A_19 : memref<50000x16xf32, #tpu.memory_space<hbm>>) target(%arg8 : memref<3136x16xf32, #tpu.memory_space<vmem>>) offsets(%arg6 : memref<3136xi32, #tpu.memory_space<vmem>>) semaphore(%arg9 : memref<!tpu.dma_semaphore, #tpu.memory_space<semaphore_mem>>)
    %dma_wait3A_20 = arith.constant 0 : i32
    %dma_wait3A_21 = arith.constant 0 : i32
    %dma_wait3A_22 = tpu.memref_slice %arg2[%dma_wait3A_20, %dma_wait3A_21] : memref<50000x16xf32, #tpu.memory_space<hbm>> -> memref<50000x16xf32, #tpu.memory_space<hbm>>
    tpu.wait_indirect_dma semaphore(%arg9 : memref<!tpu.dma_semaphore, #tpu.memory_space<semaphore_mem>>) src(%dma_wait3A_22 : memref<50000x16xf32, #tpu.memory_space<hbm>>) dst(%arg8 : memref<3136x16xf32, #tpu.memory_space<vmem>>)
    %add3A_23 = arith.constant 3136 : i32
    %add3A_24 = arith.addi %mul3A_2, %add3A_23 : i32
    %dma_start3A_25 = arith.constant 0 : i32
    %dma_start3A_26 = tpu.memref_slice %arg4[%add3A_24, %dma_start3A_25] : memref<802816x16xf32, #tpu.memory_space<hbm>> -> memref<3136x16xf32, #tpu.memory_space<hbm>>
    %dma_start3A_27 = arith.constant 0 : i32
    %dma_start3A_28 = tpu.memref_slice %arg4[%add3A_24, %dma_start3A_27] : memref<802816x16xf32, #tpu.memory_space<hbm>> -> memref<3136x16xf32, #tpu.memory_space<hbm>>
    tpu.enqueue_dma source(%arg8 : memref<3136x16xf32, #tpu.memory_space<vmem>>) target(%dma_start3A_28 : memref<3136x16xf32, #tpu.memory_space<hbm>>) target_semaphore(%arg11 : memref<!tpu.dma_semaphore, #tpu.memory_space<semaphore_mem>>)
    %dma_wait3A_29 = arith.constant 0 : i32
    %dma_wait3A_30 = tpu.memref_slice %arg4[%add3A_10, %dma_wait3A_29] : memref<802816x16xf32, #tpu.memory_space<hbm>> -> memref<3136x16xf32, #tpu.memory_space<hbm>>
    %dma_wait3A_31 = arith.constant 0 : i32
    %dma_wait3A_32 = tpu.memref_slice %arg4[%add3A_10, %dma_wait3A_31] : memref<802816x16xf32, #tpu.memory_space<hbm>> -> memref<3136x16xf32, #tpu.memory_space<hbm>>
    tpu.wait_dma2 semaphore(%arg10 : memref<!tpu.dma_semaphore, #tpu.memory_space<semaphore_mem>>) src(%arg7 : memref<3136x16xf32, #tpu.memory_space<vmem>>) dst(%dma_wait3A_32 : memref<3136x16xf32, #tpu.memory_space<hbm>>)
    %add3A_33 = arith.constant 6272 : i32
    %add3A_34 = arith.addi %mul3A_2, %add3A_33 : i32
    "tpu.region"() ({
      %run_scoped3A = tpu.sem_alloc : memref<!tpu.dma_semaphore, #tpu.memory_space<semaphore_mem>>
      %dma_start3A_145 = tpu.memref_slice %arg3[%add3A_34] : memref<802816xi32, #tpu.memory_space<hbm>> -> memref<3136xi32, #tpu.memory_space<hbm>>
      %dma_start3A_146 = tpu.memref_slice %arg3[%add3A_34] : memref<802816xi32, #tpu.memory_space<hbm>> -> memref<3136xi32, #tpu.memory_space<hbm>>
      tpu.enqueue_dma source(%dma_start3A_146 : memref<3136xi32, #tpu.memory_space<hbm>>) target(%arg5 : memref<3136xi32, #tpu.memory_space<vmem>>) target_semaphore(%run_scoped3A : memref<!tpu.dma_semaphore, #tpu.memory_space<semaphore_mem>>)
      %dma_wait3A_147 = tpu.memref_slice %arg3[%add3A_34] : memref<802816xi32, #tpu.memory_space<hbm>> -> memref<3136xi32, #tpu.memory_space<hbm>>
      %dma_wait3A_148 = tpu.memref_slice %arg3[%add3A_34] : memref<802816xi32, #tpu.memory_space<hbm>> -> memref<3136xi32, #tpu.memory_space<hbm>>
      tpu.wait_dma2 semaphore(%run_scoped3A : memref<!tpu.dma_semaphore, #tpu.memory_space<semaphore_mem>>) src(%dma_wait3A_148 : memref<3136xi32, #tpu.memory_space<hbm>>) dst(%arg5 : memref<3136xi32, #tpu.memory_space<vmem>>)
      tpu.yield
    }) : () -> ()
    %dma_start3A_35 = arith.constant 0 : i32
    %dma_start3A_36 = arith.constant 0 : i32
    %dma_start3A_37 = tpu.memref_slice %arg2[%dma_start3A_35, %dma_start3A_36] : memref<50000x16xf32, #tpu.memory_space<hbm>> -> memref<50000x16xf32, #tpu.memory_space<hbm>>
    tpu.enqueue_indirect_dma source(%dma_start3A_37 : memref<50000x16xf32, #tpu.memory_space<hbm>>) target(%arg7 : memref<3136x16xf32, #tpu.memory_space<vmem>>) offsets(%arg5 : memref<3136xi32, #tpu.memory_space<vmem>>) semaphore(%arg9 : memref<!tpu.dma_semaphore, #tpu.memory_space<semaphore_mem>>)
    %dma_wait3A_38 = arith.constant 0 : i32
    %dma_wait3A_39 = arith.constant 0 : i32
    %dma_wait3A_40 = tpu.memref_slice %arg2[%dma_wait3A_38, %dma_wait3A_39] : memref<50000x16xf32, #tpu.memory_space<hbm>> -> memref<50000x16xf32, #tpu.memory_space<hbm>>
    tpu.wait_indirect_dma semaphore(%arg9 : memref<!tpu.dma_semaphore, #tpu.memory_space<semaphore_mem>>) src(%dma_wait3A_40 : memref<50000x16xf32, #tpu.memory_space<hbm>>) dst(%arg7 : memref<3136x16xf32, #tpu.memory_space<vmem>>)
    %add3A_41 = arith.constant 6272 : i32
    %add3A_42 = arith.addi %mul3A_2, %add3A_41 : i32
    %dma_start3A_43 = arith.constant 0 : i32
    %dma_start3A_44 = tpu.memref_slice %arg4[%add3A_42, %dma_start3A_43] : memref<802816x16xf32, #tpu.memory_space<hbm>> -> memref<3136x16xf32, #tpu.memory_space<hbm>>
    %dma_start3A_45 = arith.constant 0 : i32
    %dma_start3A_46 = tpu.memref_slice %arg4[%add3A_42, %dma_start3A_45] : memref<802816x16xf32, #tpu.memory_space<hbm>> -> memref<3136x16xf32, #tpu.memory_space<hbm>>
    tpu.enqueue_dma source(%arg7 : memref<3136x16xf32, #tpu.memory_space<vmem>>) target(%dma_start3A_46 : memref<3136x16xf32, #tpu.memory_space<hbm>>) target_semaphore(%arg10 : memref<!tpu.dma_semaphore, #tpu.memory_space<semaphore_mem>>)
    %dma_wait3A_47 = arith.constant 0 : i32
    %dma_wait3A_48 = tpu.memref_slice %arg4[%add3A_24, %dma_wait3A_47] : memref<802816x16xf32, #tpu.memory_space<hbm>> -> memref<3136x16xf32, #tpu.memory_space<hbm>>
    %dma_wait3A_49 = arith.constant 0 : i32
    %dma_wait3A_50 = tpu.memref_slice %arg4[%add3A_24, %dma_wait3A_49] : memref<802816x16xf32, #tpu.memory_space<hbm>> -> memref<3136x16xf32, #tpu.memory_space<hbm>>
    tpu.wait_dma2 semaphore(%arg11 : memref<!tpu.dma_semaphore, #tpu.memory_space<semaphore_mem>>) src(%arg8 : memref<3136x16xf32, #tpu.memory_space<vmem>>) dst(%dma_wait3A_50 : memref<3136x16xf32, #tpu.memory_space<hbm>>)
    %add3A_51 = arith.constant 9408 : i32
    %add3A_52 = arith.addi %mul3A_2, %add3A_51 : i32
    "tpu.region"() ({
      %run_scoped3A = tpu.sem_alloc : memref<!tpu.dma_semaphore, #tpu.memory_space<semaphore_mem>>
      %dma_start3A_145 = tpu.memref_slice %arg3[%add3A_52] : memref<802816xi32, #tpu.memory_space<hbm>> -> memref<3136xi32, #tpu.memory_space<hbm>>
      %dma_start3A_146 = tpu.memref_slice %arg3[%add3A_52] : memref<802816xi32, #tpu.memory_space<hbm>> -> memref<3136xi32, #tpu.memory_space<hbm>>
      tpu.enqueue_dma source(%dma_start3A_146 : memref<3136xi32, #tpu.memory_space<hbm>>) target(%arg6 : memref<3136xi32, #tpu.memory_space<vmem>>) target_semaphore(%run_scoped3A : memref<!tpu.dma_semaphore, #tpu.memory_space<semaphore_mem>>)
      %dma_wait3A_147 = tpu.memref_slice %arg3[%add3A_52] : memref<802816xi32, #tpu.memory_space<hbm>> -> memref<3136xi32, #tpu.memory_space<hbm>>
      %dma_wait3A_148 = tpu.memref_slice %arg3[%add3A_52] : memref<802816xi32, #tpu.memory_space<hbm>> -> memref<3136xi32, #tpu.memory_space<hbm>>
      tpu.wait_dma2 semaphore(%run_scoped3A : memref<!tpu.dma_semaphore, #tpu.memory_space<semaphore_mem>>) src(%dma_wait3A_148 : memref<3136xi32, #tpu.memory_space<hbm>>) dst(%arg6 : memref<3136xi32, #tpu.memory_space<vmem>>)
      tpu.yield
    }) : () -> ()
    %dma_start3A_53 = arith.constant 0 : i32
    %dma_start3A_54 = arith.constant 0 : i32
    %dma_start3A_55 = tpu.memref_slice %arg2[%dma_start3A_53, %dma_start3A_54] : memref<50000x16xf32, #tpu.memory_space<hbm>> -> memref<50000x16xf32, #tpu.memory_space<hbm>>
    tpu.enqueue_indirect_dma source(%dma_start3A_55 : memref<50000x16xf32, #tpu.memory_space<hbm>>) target(%arg8 : memref<3136x16xf32, #tpu.memory_space<vmem>>) offsets(%arg6 : memref<3136xi32, #tpu.memory_space<vmem>>) semaphore(%arg9 : memref<!tpu.dma_semaphore, #tpu.memory_space<semaphore_mem>>)
    %dma_wait3A_56 = arith.constant 0 : i32
    %dma_wait3A_57 = arith.constant 0 : i32
    %dma_wait3A_58 = tpu.memref_slice %arg2[%dma_wait3A_56, %dma_wait3A_57] : memref<50000x16xf32, #tpu.memory_space<hbm>> -> memref<50000x16xf32, #tpu.memory_space<hbm>>
    tpu.wait_indirect_dma semaphore(%arg9 : memref<!tpu.dma_semaphore, #tpu.memory_space<semaphore_mem>>) src(%dma_wait3A_58 : memref<50000x16xf32, #tpu.memory_space<hbm>>) dst(%arg8 : memref<3136x16xf32, #tpu.memory_space<vmem>>)
    %add3A_59 = arith.constant 9408 : i32
    %add3A_60 = arith.addi %mul3A_2, %add3A_59 : i32
    %dma_start3A_61 = arith.constant 0 : i32
    %dma_start3A_62 = tpu.memref_slice %arg4[%add3A_60, %dma_start3A_61] : memref<802816x16xf32, #tpu.memory_space<hbm>> -> memref<3136x16xf32, #tpu.memory_space<hbm>>
    %dma_start3A_63 = arith.constant 0 : i32
    %dma_start3A_64 = tpu.memref_slice %arg4[%add3A_60, %dma_start3A_63] : memref<802816x16xf32, #tpu.memory_space<hbm>> -> memref<3136x16xf32, #tpu.memory_space<hbm>>
    tpu.enqueue_dma source(%arg8 : memref<3136x16xf32, #tpu.memory_space<vmem>>) target(%dma_start3A_64 : memref<3136x16xf32, #tpu.memory_space<hbm>>) target_semaphore(%arg11 : memref<!tpu.dma_semaphore, #tpu.memory_space<semaphore_mem>>)
    %dma_wait3A_65 = arith.constant 0 : i32
    %dma_wait3A_66 = tpu.memref_slice %arg4[%add3A_42, %dma_wait3A_65] : memref<802816x16xf32, #tpu.memory_space<hbm>> -> memref<3136x16xf32, #tpu.memory_space<hbm>>
    %dma_wait3A_67 = arith.constant 0 : i32
    %dma_wait3A_68 = tpu.memref_slice %arg4[%add3A_42, %dma_wait3A_67] : memref<802816x16xf32, #tpu.memory_space<hbm>> -> memref<3136x16xf32, #tpu.memory_space<hbm>>
    tpu.wait_dma2 semaphore(%arg10 : memref<!tpu.dma_semaphore, #tpu.memory_space<semaphore_mem>>) src(%arg7 : memref<3136x16xf32, #tpu.memory_space<vmem>>) dst(%dma_wait3A_68 : memref<3136x16xf32, #tpu.memory_space<hbm>>)
    %add3A_69 = arith.constant 12544 : i32
    %add3A_70 = arith.addi %mul3A_2, %add3A_69 : i32
    "tpu.region"() ({
      %run_scoped3A = tpu.sem_alloc : memref<!tpu.dma_semaphore, #tpu.memory_space<semaphore_mem>>
      %dma_start3A_145 = tpu.memref_slice %arg3[%add3A_70] : memref<802816xi32, #tpu.memory_space<hbm>> -> memref<3136xi32, #tpu.memory_space<hbm>>
      %dma_start3A_146 = tpu.memref_slice %arg3[%add3A_70] : memref<802816xi32, #tpu.memory_space<hbm>> -> memref<3136xi32, #tpu.memory_space<hbm>>
      tpu.enqueue_dma source(%dma_start3A_146 : memref<3136xi32, #tpu.memory_space<hbm>>) target(%arg5 : memref<3136xi32, #tpu.memory_space<vmem>>) target_semaphore(%run_scoped3A : memref<!tpu.dma_semaphore, #tpu.memory_space<semaphore_mem>>)
      %dma_wait3A_147 = tpu.memref_slice %arg3[%add3A_70] : memref<802816xi32, #tpu.memory_space<hbm>> -> memref<3136xi32, #tpu.memory_space<hbm>>
      %dma_wait3A_148 = tpu.memref_slice %arg3[%add3A_70] : memref<802816xi32, #tpu.memory_space<hbm>> -> memref<3136xi32, #tpu.memory_space<hbm>>
      tpu.wait_dma2 semaphore(%run_scoped3A : memref<!tpu.dma_semaphore, #tpu.memory_space<semaphore_mem>>) src(%dma_wait3A_148 : memref<3136xi32, #tpu.memory_space<hbm>>) dst(%arg5 : memref<3136xi32, #tpu.memory_space<vmem>>)
      tpu.yield
    }) : () -> ()
    %dma_start3A_71 = arith.constant 0 : i32
    %dma_start3A_72 = arith.constant 0 : i32
    %dma_start3A_73 = tpu.memref_slice %arg2[%dma_start3A_71, %dma_start3A_72] : memref<50000x16xf32, #tpu.memory_space<hbm>> -> memref<50000x16xf32, #tpu.memory_space<hbm>>
    tpu.enqueue_indirect_dma source(%dma_start3A_73 : memref<50000x16xf32, #tpu.memory_space<hbm>>) target(%arg7 : memref<3136x16xf32, #tpu.memory_space<vmem>>) offsets(%arg5 : memref<3136xi32, #tpu.memory_space<vmem>>) semaphore(%arg9 : memref<!tpu.dma_semaphore, #tpu.memory_space<semaphore_mem>>)
    %dma_wait3A_74 = arith.constant 0 : i32
    %dma_wait3A_75 = arith.constant 0 : i32
    %dma_wait3A_76 = tpu.memref_slice %arg2[%dma_wait3A_74, %dma_wait3A_75] : memref<50000x16xf32, #tpu.memory_space<hbm>> -> memref<50000x16xf32, #tpu.memory_space<hbm>>
    tpu.wait_indirect_dma semaphore(%arg9 : memref<!tpu.dma_semaphore, #tpu.memory_space<semaphore_mem>>) src(%dma_wait3A_76 : memref<50000x16xf32, #tpu.memory_space<hbm>>) dst(%arg7 : memref<3136x16xf32, #tpu.memory_space<vmem>>)
    %add3A_77 = arith.constant 12544 : i32
    %add3A_78 = arith.addi %mul3A_2, %add3A_77 : i32
    %dma_start3A_79 = arith.constant 0 : i32
    %dma_start3A_80 = tpu.memref_slice %arg4[%add3A_78, %dma_start3A_79] : memref<802816x16xf32, #tpu.memory_space<hbm>> -> memref<3136x16xf32, #tpu.memory_space<hbm>>
    %dma_start3A_81 = arith.constant 0 : i32
    %dma_start3A_82 = tpu.memref_slice %arg4[%add3A_78, %dma_start3A_81] : memref<802816x16xf32, #tpu.memory_space<hbm>> -> memref<3136x16xf32, #tpu.memory_space<hbm>>
    tpu.enqueue_dma source(%arg7 : memref<3136x16xf32, #tpu.memory_space<vmem>>) target(%dma_start3A_82 : memref<3136x16xf32, #tpu.memory_space<hbm>>) target_semaphore(%arg10 : memref<!tpu.dma_semaphore, #tpu.memory_space<semaphore_mem>>)
    %dma_wait3A_83 = arith.constant 0 : i32
    %dma_wait3A_84 = tpu.memref_slice %arg4[%add3A_60, %dma_wait3A_83] : memref<802816x16xf32, #tpu.memory_space<hbm>> -> memref<3136x16xf32, #tpu.memory_space<hbm>>
    %dma_wait3A_85 = arith.constant 0 : i32
    %dma_wait3A_86 = tpu.memref_slice %arg4[%add3A_60, %dma_wait3A_85] : memref<802816x16xf32, #tpu.memory_space<hbm>> -> memref<3136x16xf32, #tpu.memory_space<hbm>>
    tpu.wait_dma2 semaphore(%arg11 : memref<!tpu.dma_semaphore, #tpu.memory_space<semaphore_mem>>) src(%arg8 : memref<3136x16xf32, #tpu.memory_space<vmem>>) dst(%dma_wait3A_86 : memref<3136x16xf32, #tpu.memory_space<hbm>>)
    %add3A_87 = arith.constant 15680 : i32
    %add3A_88 = arith.addi %mul3A_2, %add3A_87 : i32
    "tpu.region"() ({
      %run_scoped3A = tpu.sem_alloc : memref<!tpu.dma_semaphore, #tpu.memory_space<semaphore_mem>>
      %dma_start3A_145 = tpu.memref_slice %arg3[%add3A_88] : memref<802816xi32, #tpu.memory_space<hbm>> -> memref<3136xi32, #tpu.memory_space<hbm>>
      %dma_start3A_146 = tpu.memref_slice %arg3[%add3A_88] : memref<802816xi32, #tpu.memory_space<hbm>> -> memref<3136xi32, #tpu.memory_space<hbm>>
      tpu.enqueue_dma source(%dma_start3A_146 : memref<3136xi32, #tpu.memory_space<hbm>>) target(%arg6 : memref<3136xi32, #tpu.memory_space<vmem>>) target_semaphore(%run_scoped3A : memref<!tpu.dma_semaphore, #tpu.memory_space<semaphore_mem>>)
      %dma_wait3A_147 = tpu.memref_slice %arg3[%add3A_88] : memref<802816xi32, #tpu.memory_space<hbm>> -> memref<3136xi32, #tpu.memory_space<hbm>>
      %dma_wait3A_148 = tpu.memref_slice %arg3[%add3A_88] : memref<802816xi32, #tpu.memory_space<hbm>> -> memref<3136xi32, #tpu.memory_space<hbm>>
      tpu.wait_dma2 semaphore(%run_scoped3A : memref<!tpu.dma_semaphore, #tpu.memory_space<semaphore_mem>>) src(%dma_wait3A_148 : memref<3136xi32, #tpu.memory_space<hbm>>) dst(%arg6 : memref<3136xi32, #tpu.memory_space<vmem>>)
      tpu.yield
    }) : () -> ()
    %dma_start3A_89 = arith.constant 0 : i32
    %dma_start3A_90 = arith.constant 0 : i32
    %dma_start3A_91 = tpu.memref_slice %arg2[%dma_start3A_89, %dma_start3A_90] : memref<50000x16xf32, #tpu.memory_space<hbm>> -> memref<50000x16xf32, #tpu.memory_space<hbm>>
    tpu.enqueue_indirect_dma source(%dma_start3A_91 : memref<50000x16xf32, #tpu.memory_space<hbm>>) target(%arg8 : memref<3136x16xf32, #tpu.memory_space<vmem>>) offsets(%arg6 : memref<3136xi32, #tpu.memory_space<vmem>>) semaphore(%arg9 : memref<!tpu.dma_semaphore, #tpu.memory_space<semaphore_mem>>)
    %dma_wait3A_92 = arith.constant 0 : i32
    %dma_wait3A_93 = arith.constant 0 : i32
    %dma_wait3A_94 = tpu.memref_slice %arg2[%dma_wait3A_92, %dma_wait3A_93] : memref<50000x16xf32, #tpu.memory_space<hbm>> -> memref<50000x16xf32, #tpu.memory_space<hbm>>
    tpu.wait_indirect_dma semaphore(%arg9 : memref<!tpu.dma_semaphore, #tpu.memory_space<semaphore_mem>>) src(%dma_wait3A_94 : memref<50000x16xf32, #tpu.memory_space<hbm>>) dst(%arg8 : memref<3136x16xf32, #tpu.memory_space<vmem>>)
    %add3A_95 = arith.constant 15680 : i32
    %add3A_96 = arith.addi %mul3A_2, %add3A_95 : i32
    %dma_start3A_97 = arith.constant 0 : i32
    %dma_start3A_98 = tpu.memref_slice %arg4[%add3A_96, %dma_start3A_97] : memref<802816x16xf32, #tpu.memory_space<hbm>> -> memref<3136x16xf32, #tpu.memory_space<hbm>>
    %dma_start3A_99 = arith.constant 0 : i32
    %dma_start3A_100 = tpu.memref_slice %arg4[%add3A_96, %dma_start3A_99] : memref<802816x16xf32, #tpu.memory_space<hbm>> -> memref<3136x16xf32, #tpu.memory_space<hbm>>
    tpu.enqueue_dma source(%arg8 : memref<3136x16xf32, #tpu.memory_space<vmem>>) target(%dma_start3A_100 : memref<3136x16xf32, #tpu.memory_space<hbm>>) target_semaphore(%arg11 : memref<!tpu.dma_semaphore, #tpu.memory_space<semaphore_mem>>)
    %dma_wait3A_101 = arith.constant 0 : i32
    %dma_wait3A_102 = tpu.memref_slice %arg4[%add3A_78, %dma_wait3A_101] : memref<802816x16xf32, #tpu.memory_space<hbm>> -> memref<3136x16xf32, #tpu.memory_space<hbm>>
    %dma_wait3A_103 = arith.constant 0 : i32
    %dma_wait3A_104 = tpu.memref_slice %arg4[%add3A_78, %dma_wait3A_103] : memref<802816x16xf32, #tpu.memory_space<hbm>> -> memref<3136x16xf32, #tpu.memory_space<hbm>>
    tpu.wait_dma2 semaphore(%arg10 : memref<!tpu.dma_semaphore, #tpu.memory_space<semaphore_mem>>) src(%arg7 : memref<3136x16xf32, #tpu.memory_space<vmem>>) dst(%dma_wait3A_104 : memref<3136x16xf32, #tpu.memory_space<hbm>>)
    %add3A_105 = arith.constant 18816 : i32
    %add3A_106 = arith.addi %mul3A_2, %add3A_105 : i32
    "tpu.region"() ({
      %run_scoped3A = tpu.sem_alloc : memref<!tpu.dma_semaphore, #tpu.memory_space<semaphore_mem>>
      %dma_start3A_145 = tpu.memref_slice %arg3[%add3A_106] : memref<802816xi32, #tpu.memory_space<hbm>> -> memref<3136xi32, #tpu.memory_space<hbm>>
      %dma_start3A_146 = tpu.memref_slice %arg3[%add3A_106] : memref<802816xi32, #tpu.memory_space<hbm>> -> memref<3136xi32, #tpu.memory_space<hbm>>
      tpu.enqueue_dma source(%dma_start3A_146 : memref<3136xi32, #tpu.memory_space<hbm>>) target(%arg5 : memref<3136xi32, #tpu.memory_space<vmem>>) target_semaphore(%run_scoped3A : memref<!tpu.dma_semaphore, #tpu.memory_space<semaphore_mem>>)
      %dma_wait3A_147 = tpu.memref_slice %arg3[%add3A_106] : memref<802816xi32, #tpu.memory_space<hbm>> -> memref<3136xi32, #tpu.memory_space<hbm>>
      %dma_wait3A_148 = tpu.memref_slice %arg3[%add3A_106] : memref<802816xi32, #tpu.memory_space<hbm>> -> memref<3136xi32, #tpu.memory_space<hbm>>
      tpu.wait_dma2 semaphore(%run_scoped3A : memref<!tpu.dma_semaphore, #tpu.memory_space<semaphore_mem>>) src(%dma_wait3A_148 : memref<3136xi32, #tpu.memory_space<hbm>>) dst(%arg5 : memref<3136xi32, #tpu.memory_space<vmem>>)
      tpu.yield
    }) : () -> ()
    %dma_start3A_107 = arith.constant 0 : i32
    %dma_start3A_108 = arith.constant 0 : i32
    %dma_start3A_109 = tpu.memref_slice %arg2[%dma_start3A_107, %dma_start3A_108] : memref<50000x16xf32, #tpu.memory_space<hbm>> -> memref<50000x16xf32, #tpu.memory_space<hbm>>
    tpu.enqueue_indirect_dma source(%dma_start3A_109 : memref<50000x16xf32, #tpu.memory_space<hbm>>) target(%arg7 : memref<3136x16xf32, #tpu.memory_space<vmem>>) offsets(%arg5 : memref<3136xi32, #tpu.memory_space<vmem>>) semaphore(%arg9 : memref<!tpu.dma_semaphore, #tpu.memory_space<semaphore_mem>>)
    %dma_wait3A_110 = arith.constant 0 : i32
    %dma_wait3A_111 = arith.constant 0 : i32
    %dma_wait3A_112 = tpu.memref_slice %arg2[%dma_wait3A_110, %dma_wait3A_111] : memref<50000x16xf32, #tpu.memory_space<hbm>> -> memref<50000x16xf32, #tpu.memory_space<hbm>>
    tpu.wait_indirect_dma semaphore(%arg9 : memref<!tpu.dma_semaphore, #tpu.memory_space<semaphore_mem>>) src(%dma_wait3A_112 : memref<50000x16xf32, #tpu.memory_space<hbm>>) dst(%arg7 : memref<3136x16xf32, #tpu.memory_space<vmem>>)
    %add3A_113 = arith.constant 18816 : i32
    %add3A_114 = arith.addi %mul3A_2, %add3A_113 : i32
    %dma_start3A_115 = arith.constant 0 : i32
    %dma_start3A_116 = tpu.memref_slice %arg4[%add3A_114, %dma_start3A_115] : memref<802816x16xf32, #tpu.memory_space<hbm>> -> memref<3136x16xf32, #tpu.memory_space<hbm>>
    %dma_start3A_117 = arith.constant 0 : i32
    %dma_start3A_118 = tpu.memref_slice %arg4[%add3A_114, %dma_start3A_117] : memref<802816x16xf32, #tpu.memory_space<hbm>> -> memref<3136x16xf32, #tpu.memory_space<hbm>>
    tpu.enqueue_dma source(%arg7 : memref<3136x16xf32, #tpu.memory_space<vmem>>) target(%dma_start3A_118 : memref<3136x16xf32, #tpu.memory_space<hbm>>) target_semaphore(%arg10 : memref<!tpu.dma_semaphore, #tpu.memory_space<semaphore_mem>>)
    %dma_wait3A_119 = arith.constant 0 : i32
    %dma_wait3A_120 = tpu.memref_slice %arg4[%add3A_96, %dma_wait3A_119] : memref<802816x16xf32, #tpu.memory_space<hbm>> -> memref<3136x16xf32, #tpu.memory_space<hbm>>
    %dma_wait3A_121 = arith.constant 0 : i32
    %dma_wait3A_122 = tpu.memref_slice %arg4[%add3A_96, %dma_wait3A_121] : memref<802816x16xf32, #tpu.memory_space<hbm>> -> memref<3136x16xf32, #tpu.memory_space<hbm>>
    tpu.wait_dma2 semaphore(%arg11 : memref<!tpu.dma_semaphore, #tpu.memory_space<semaphore_mem>>) src(%arg8 : memref<3136x16xf32, #tpu.memory_space<vmem>>) dst(%dma_wait3A_122 : memref<3136x16xf32, #tpu.memory_space<hbm>>)
    %add3A_123 = arith.constant 21952 : i32
    %add3A_124 = arith.addi %mul3A_2, %add3A_123 : i32
    "tpu.region"() ({
      %run_scoped3A = tpu.sem_alloc : memref<!tpu.dma_semaphore, #tpu.memory_space<semaphore_mem>>
      %dma_start3A_145 = tpu.memref_slice %arg3[%add3A_124] : memref<802816xi32, #tpu.memory_space<hbm>> -> memref<3136xi32, #tpu.memory_space<hbm>>
      %dma_start3A_146 = tpu.memref_slice %arg3[%add3A_124] : memref<802816xi32, #tpu.memory_space<hbm>> -> memref<3136xi32, #tpu.memory_space<hbm>>
      tpu.enqueue_dma source(%dma_start3A_146 : memref<3136xi32, #tpu.memory_space<hbm>>) target(%arg6 : memref<3136xi32, #tpu.memory_space<vmem>>) target_semaphore(%run_scoped3A : memref<!tpu.dma_semaphore, #tpu.memory_space<semaphore_mem>>)
      %dma_wait3A_147 = tpu.memref_slice %arg3[%add3A_124] : memref<802816xi32, #tpu.memory_space<hbm>> -> memref<3136xi32, #tpu.memory_space<hbm>>
      %dma_wait3A_148 = tpu.memref_slice %arg3[%add3A_124] : memref<802816xi32, #tpu.memory_space<hbm>> -> memref<3136xi32, #tpu.memory_space<hbm>>
      tpu.wait_dma2 semaphore(%run_scoped3A : memref<!tpu.dma_semaphore, #tpu.memory_space<semaphore_mem>>) src(%dma_wait3A_148 : memref<3136xi32, #tpu.memory_space<hbm>>) dst(%arg6 : memref<3136xi32, #tpu.memory_space<vmem>>)
      tpu.yield
    }) : () -> ()
    %dma_start3A_125 = arith.constant 0 : i32
    %dma_start3A_126 = arith.constant 0 : i32
    %dma_start3A_127 = tpu.memref_slice %arg2[%dma_start3A_125, %dma_start3A_126] : memref<50000x16xf32, #tpu.memory_space<hbm>> -> memref<50000x16xf32, #tpu.memory_space<hbm>>
    tpu.enqueue_indirect_dma source(%dma_start3A_127 : memref<50000x16xf32, #tpu.memory_space<hbm>>) target(%arg8 : memref<3136x16xf32, #tpu.memory_space<vmem>>) offsets(%arg6 : memref<3136xi32, #tpu.memory_space<vmem>>) semaphore(%arg9 : memref<!tpu.dma_semaphore, #tpu.memory_space<semaphore_mem>>)
    %dma_wait3A_128 = arith.constant 0 : i32
    %dma_wait3A_129 = arith.constant 0 : i32
    %dma_wait3A_130 = tpu.memref_slice %arg2[%dma_wait3A_128, %dma_wait3A_129] : memref<50000x16xf32, #tpu.memory_space<hbm>> -> memref<50000x16xf32, #tpu.memory_space<hbm>>
    tpu.wait_indirect_dma semaphore(%arg9 : memref<!tpu.dma_semaphore, #tpu.memory_space<semaphore_mem>>) src(%dma_wait3A_130 : memref<50000x16xf32, #tpu.memory_space<hbm>>) dst(%arg8 : memref<3136x16xf32, #tpu.memory_space<vmem>>)
    %add3A_131 = arith.constant 21952 : i32
    %add3A_132 = arith.addi %mul3A_2, %add3A_131 : i32
    %dma_start3A_133 = arith.constant 0 : i32
    %dma_start3A_134 = tpu.memref_slice %arg4[%add3A_132, %dma_start3A_133] : memref<802816x16xf32, #tpu.memory_space<hbm>> -> memref<3136x16xf32, #tpu.memory_space<hbm>>
    %dma_start3A_135 = arith.constant 0 : i32
    %dma_start3A_136 = tpu.memref_slice %arg4[%add3A_132, %dma_start3A_135] : memref<802816x16xf32, #tpu.memory_space<hbm>> -> memref<3136x16xf32, #tpu.memory_space<hbm>>
    tpu.enqueue_dma source(%arg8 : memref<3136x16xf32, #tpu.memory_space<vmem>>) target(%dma_start3A_136 : memref<3136x16xf32, #tpu.memory_space<hbm>>) target_semaphore(%arg11 : memref<!tpu.dma_semaphore, #tpu.memory_space<semaphore_mem>>)
    %dma_wait3A_137 = arith.constant 0 : i32
    %dma_wait3A_138 = tpu.memref_slice %arg4[%add3A_114, %dma_wait3A_137] : memref<802816x16xf32, #tpu.memory_space<hbm>> -> memref<3136x16xf32, #tpu.memory_space<hbm>>
    %dma_wait3A_139 = arith.constant 0 : i32
    %dma_wait3A_140 = tpu.memref_slice %arg4[%add3A_114, %dma_wait3A_139] : memref<802816x16xf32, #tpu.memory_space<hbm>> -> memref<3136x16xf32, #tpu.memory_space<hbm>>
    tpu.wait_dma2 semaphore(%arg10 : memref<!tpu.dma_semaphore, #tpu.memory_space<semaphore_mem>>) src(%arg7 : memref<3136x16xf32, #tpu.memory_space<vmem>>) dst(%dma_wait3A_140 : memref<3136x16xf32, #tpu.memory_space<hbm>>)
    %dma_wait3A_141 = arith.constant 0 : i32
    %dma_wait3A_142 = tpu.memref_slice %arg4[%add3A_132, %dma_wait3A_141] : memref<802816x16xf32, #tpu.memory_space<hbm>> -> memref<3136x16xf32, #tpu.memory_space<hbm>>
    %dma_wait3A_143 = arith.constant 0 : i32
    %dma_wait3A_144 = tpu.memref_slice %arg4[%add3A_132, %dma_wait3A_143] : memref<802816x16xf32, #tpu.memory_space<hbm>> -> memref<3136x16xf32, #tpu.memory_space<hbm>>
    tpu.wait_dma2 semaphore(%arg11 : memref<!tpu.dma_semaphore, #tpu.memory_space<semaphore_mem>>) src(%arg8 : memref<3136x16xf32, #tpu.memory_space<vmem>>) dst(%dma_wait3A_144 : memref<3136x16xf32, #tpu.memory_space<hbm>>)
    return
  }
}

module attributes {stable_mosaic.version = 14 : i64} {
  func.func @_pack_body(%arg0: i32, %arg1: memref<1x1x2000xi32, #tpu.memory_space<vmem>>, %arg2: memref<2000x3xf32, #tpu.memory_space<vmem>>, %arg3: memref<39x12xf32, #tpu.memory_space<vmem>>, %arg4: memref<2000x16xf32, #tpu.memory_space<vmem>>) attributes {dimension_semantics = [#tpu.dimension_semantics<arbitrary>], iteration_bounds = array<i64: 25>, scalar_prefetch = 0 : i64, scratch_operands = 0 : i64, tpu.core_type = #tpu.core_type<tc>, window_params = [{transform_indices = @transform_0, window_bounds = array<i64: 1, 1, 2000>}, {transform_indices = @transform_1, window_bounds = array<i64: 2000, 3>}, {pipeline_mode = #tpu.pipeline_mode<synchronous>, transform_indices = @transform_2, window_bounds = array<i64: 39, 12>}, {transform_indices = @transform_3, window_bounds = array<i64: 2000, 16>}]} {
    %get3A = arith.constant 0 : index
    %get3A_0 = arith.constant 0 : index
    %get3A_1 = arith.constant 0 : index
    %get3A_2 = vector.load %arg1[%get3A, %get3A_0, %get3A_1] : memref<1x1x2000xi32, #tpu.memory_space<vmem>>, vector<1x1x2000xi32>
    %get3A_3 = vector.shape_cast %get3A_2 : vector<1x1x2000xi32> to vector<1x2000xi32>
    %iota3A = tpu.iota {dimensions = array<i32: 0>} : vector<39x1xi32>
    %eq3A = vector.broadcast %iota3A : vector<39x1xi32> to vector<39x2000xi32>
    %eq3A_4 = vector.broadcast %get3A_3 : vector<1x2000xi32> to vector<39x2000xi32>
    %eq3A_5 = arith.cmpi eq, %eq3A, %eq3A_4 : vector<39x2000xi32>
    %convert_element_type3A = arith.extui %eq3A_5 : vector<39x2000xi1> to vector<39x2000xi32>
    %convert_element_type3A_6 = arith.sitofp %convert_element_type3A : vector<39x2000xi32> to vector<39x2000xf32>
    %get3A_7 = arith.constant 0 : index
    %get3A_8 = arith.constant 0 : index
    %get3A_9 = vector.load %arg3[%get3A_7, %get3A_8] : memref<39x12xf32, #tpu.memory_space<vmem>>, vector<39x12xf32>
    %dot_general3A = arith.constant dense<0.000000e+00> : vector<2000x12xf32>
    %dot_general3A_10 = tpu.matmul %convert_element_type3A_6, %get3A_9, %dot_general3A {dimension_numbers = #tpu.dot_dimension_numbers<[0], [0], [1], [1], [0, 1, 1, 1], [], []>, transpose_lhs_hint = false} : vector<39x2000xf32>, vector<39x12xf32>, vector<2000x12xf32> -> vector<2000x12xf32>
    %broadcast_in_dim3A = arith.constant 0.000000e+00 : f32
    %broadcast_in_dim3A_11 = vector.broadcast %broadcast_in_dim3A : f32 to vector<2000x1xf32>
    %get3A_12 = arith.constant 0 : index
    %get3A_13 = arith.constant 0 : index
    %get3A_14 = vector.load %arg2[%get3A_12, %get3A_13] : memref<2000x3xf32, #tpu.memory_space<vmem>>, vector<2000x3xf32>
    %concatenate3A = tpu.concatenate %get3A_14, %broadcast_in_dim3A_11, %dot_general3A_10 in 1 : vector<2000x3xf32>, vector<2000x1xf32>, vector<2000x12xf32> -> vector<2000x16xf32>
    %swap3A = arith.constant 0 : index
    %swap3A_15 = arith.constant 0 : index
    %swap3A_16 = vector.load %arg4[%swap3A, %swap3A_15] : memref<2000x16xf32, #tpu.memory_space<vmem>>, vector<2000x16xf32>
    tpu.vector_store %arg4[%swap3A, %swap3A_15], %concatenate3A {strides = array<i32>} : memref<2000x16xf32, #tpu.memory_space<vmem>>, vector<2000x16xf32>,
    return
  }
  func.func @transform_0(%arg0: i32) -> (i32, i32, i32) {
    %c0_i32 = arith.constant 0 : i32
    %c0_i32_0 = arith.constant 0 : i32
    %c0_i32_1 = arith.constant 0 : i32
    return %arg0, %c0_i32, %c0_i32_0 : i32, i32, i32
  }
  func.func @transform_1(%arg0: i32) -> (i32, i32) {
    %c0_i32 = arith.constant 0 : i32
    %c0_i32_0 = arith.constant 0 : i32
    return %arg0, %c0_i32 : i32, i32
  }
  func.func @transform_2(%arg0: i32) -> (i32, i32) {
    %c0_i32 = arith.constant 0 : i32
    %c0_i32_0 = arith.constant 0 : i32
    %c0_i32_1 = arith.constant 0 : i32
    return %c0_i32, %c0_i32_0 : i32, i32
  }
  func.func @transform_3(%arg0: i32) -> (i32, i32) {
    %c0_i32 = arith.constant 0 : i32
    %c0_i32_0 = arith.constant 0 : i32
    return %arg0, %c0_i32 : i32, i32
  }
}

module attributes {stable_mosaic.version = 14 : i64} {
  func.func @_bn_body(%arg0: i32, %arg1: memref<2000x64xf32, #tpu.memory_space<vmem>>, %arg2: memref<98x1x64xf32, #tpu.memory_space<vmem>>, %arg3: memref<98x1x64xf32, #tpu.memory_space<vmem>>, %arg4: memref<1x64xf32, #tpu.memory_space<vmem>>, %arg5: memref<1x64xf32, #tpu.memory_space<vmem>>, %arg6: memref<2000x64xf32, #tpu.memory_space<vmem>>) attributes {dimension_semantics = [#tpu.dimension_semantics<arbitrary>], iteration_bounds = array<i64: 25>, scalar_prefetch = 0 : i64, scratch_operands = 0 : i64, tpu.core_type = #tpu.core_type<tc>, window_params = [{transform_indices = @transform_0, window_bounds = array<i64: 2000, 64>}, {pipeline_mode = #tpu.pipeline_mode<synchronous>, transform_indices = @transform_1, window_bounds = array<i64: 98, 1, 64>}, {pipeline_mode = #tpu.pipeline_mode<synchronous>, transform_indices = @transform_2, window_bounds = array<i64: 98, 1, 64>}, {pipeline_mode = #tpu.pipeline_mode<synchronous>, transform_indices = @transform_3, window_bounds = array<i64: 1, 64>}, {pipeline_mode = #tpu.pipeline_mode<synchronous>, transform_indices = @transform_4, window_bounds = array<i64: 1, 64>}, {transform_indices = @transform_5, window_bounds = array<i64: 2000, 64>}]} {
    %get3A = arith.constant 0 : index
    %get3A_0 = arith.constant 0 : index
    %get3A_1 = arith.constant 0 : index
    %get3A_2 = vector.load %arg2[%get3A, %get3A_0, %get3A_1] : memref<98x1x64xf32, #tpu.memory_space<vmem>>, vector<98x1x64xf32>
    %reduce_sum3A = arith.constant dense<0.000000e+00> : vector<1x64xf32>
    %reduce_sum3A_3 = vector.multi_reduction <add>, %get3A_2, %reduce_sum3A [0] : vector<98x1x64xf32> to vector<1x64xf32>
    %get3A_4 = arith.constant 0 : index
    %get3A_5 = arith.constant 0 : index
    %get3A_6 = arith.constant 0 : index
    %get3A_7 = vector.load %arg3[%get3A_4, %get3A_5, %get3A_6] : memref<98x1x64xf32, #tpu.memory_space<vmem>>, vector<98x1x64xf32>
    %reduce_sum3A_8 = arith.constant dense<0.000000e+00> : vector<1x64xf32>
    %reduce_sum3A_9 = vector.multi_reduction <add>, %get3A_7, %reduce_sum3A_8 [0] : vector<98x1x64xf32> to vector<1x64xf32>
    %div3A = arith.constant 5.000000e+04 : f32
    %div3A_10 = vector.broadcast %div3A : f32 to vector<1x64xf32>
    %div3A_11 = arith.divf %reduce_sum3A_3, %div3A_10 : vector<1x64xf32>
    %div3A_12 = arith.constant 5.000000e+04 : f32
    %div3A_13 = vector.broadcast %div3A_12 : f32 to vector<1x64xf32>
    %div3A_14 = arith.divf %reduce_sum3A_9, %div3A_13 : vector<1x64xf32>
    %mul3A = arith.mulf %div3A_11, %div3A_11 : vector<1x64xf32>
    %sub3A = arith.subf %div3A_14, %mul3A : vector<1x64xf32>
    %add3A = arith.constant 9.99999974E-6 : f32
    %add3A_15 = vector.broadcast %add3A : f32 to vector<1x64xf32>
    %add3A_16 = arith.addf %sub3A, %add3A_15 : vector<1x64xf32>
    %rsqrt3A = math.rsqrt %add3A_16 : vector<1x64xf32>
    %get3A_17 = arith.constant 0 : index
    %get3A_18 = arith.constant 0 : index
    %get3A_19 = vector.load %arg1[%get3A_17, %get3A_18] : memref<2000x64xf32, #tpu.memory_space<vmem>>, vector<2000x64xf32>
    %sub3A_20 = vector.broadcast %div3A_11 : vector<1x64xf32> to vector<2000x64xf32>
    %sub3A_21 = arith.subf %get3A_19, %sub3A_20 : vector<2000x64xf32>
    %mul3A_22 = vector.broadcast %rsqrt3A : vector<1x64xf32> to vector<2000x64xf32>
    %mul3A_23 = arith.mulf %sub3A_21, %mul3A_22 : vector<2000x64xf32>
    %get3A_24 = arith.constant 0 : index
    %get3A_25 = arith.constant 0 : index
    %get3A_26 = vector.load %arg4[%get3A_24, %get3A_25] : memref<1x64xf32, #tpu.memory_space<vmem>>, vector<1x64xf32>
    %mul3A_27 = vector.broadcast %get3A_26 : vector<1x64xf32> to vector<2000x64xf32>
    %mul3A_28 = arith.mulf %mul3A_23, %mul3A_27 : vector<2000x64xf32>
    %get3A_29 = arith.constant 0 : index
    %get3A_30 = arith.constant 0 : index
    %get3A_31 = vector.load %arg5[%get3A_29, %get3A_30] : memref<1x64xf32, #tpu.memory_space<vmem>>, vector<1x64xf32>
    %add3A_32 = vector.broadcast %get3A_31 : vector<1x64xf32> to vector<2000x64xf32>
    %add3A_33 = arith.addf %mul3A_28, %add3A_32 : vector<2000x64xf32>
    %max3A = arith.constant 0.000000e+00 : f32
    %max3A_34 = vector.broadcast %max3A : f32 to vector<2000x64xf32>
    %max3A_35 = arith.maximumf %add3A_33, %max3A_34 : vector<2000x64xf32>
    %swap3A = arith.constant 0 : index
    %swap3A_36 = arith.constant 0 : index
    %swap3A_37 = vector.load %arg6[%swap3A, %swap3A_36] : memref<2000x64xf32, #tpu.memory_space<vmem>>, vector<2000x64xf32>
    tpu.vector_store %arg6[%swap3A, %swap3A_36], %max3A_35 {strides = array<i32>} : memref<2000x64xf32, #tpu.memory_space<vmem>>, vector<2000x64xf32>,
    return
  }
  func.func @transform_0(%arg0: i32) -> (i32, i32) {
    %c0_i32 = arith.constant 0 : i32
    %c0_i32_0 = arith.constant 0 : i32
    return %arg0, %c0_i32 : i32, i32
  }
  func.func @transform_1(%arg0: i32) -> (i32, i32, i32) {
    %c0_i32 = arith.constant 0 : i32
    %c0_i32_0 = arith.constant 0 : i32
    %c0_i32_1 = arith.constant 0 : i32
    %c0_i32_2 = arith.constant 0 : i32
    return %c0_i32, %c0_i32_0, %c0_i32_1 : i32, i32, i32
  }
  func.func @transform_2(%arg0: i32) -> (i32, i32, i32) {
    %c0_i32 = arith.constant 0 : i32
    %c0_i32_0 = arith.constant 0 : i32
    %c0_i32_1 = arith.constant 0 : i32
    %c0_i32_2 = arith.constant 0 : i32
    return %c0_i32, %c0_i32_0, %c0_i32_1 : i32, i32, i32
  }
  func.func @transform_3(%arg0: i32) -> (i32, i32) {
    %c0_i32 = arith.constant 0 : i32
    %c0_i32_0 = arith.constant 0 : i32
    %c0_i32_1 = arith.constant 0 : i32
    return %c0_i32, %c0_i32_0 : i32, i32
  }
  func.func @transform_4(%arg0: i32) -> (i32, i32) {
    %c0_i32 = arith.constant 0 : i32
    %c0_i32_0 = arith.constant 0 : i32
    %c0_i32_1 = arith.constant 0 : i32
    return %c0_i32, %c0_i32_0 : i32, i32
  }
  func.func @transform_5(%arg0: i32) -> (i32, i32) {
    %c0_i32 = arith.constant 0 : i32
    %c0_i32_0 = arith.constant 0 : i32
    return %arg0, %c0_i32 : i32, i32
  }
}

module attributes {stable_mosaic.version = 14 : i64} {
  func.func @_main_body(%arg0: i32, %arg1: memref<1024x128xf32, #tpu.memory_space<vmem>>, %arg2: memref<3x512xf32, #tpu.memory_space<vmem>>, %arg3: memref<64x48xf32, #tpu.memory_space<vmem>>, %arg4: memref<1x64xf32, #tpu.memory_space<vmem>>, %arg5: memref<64x64xf32, #tpu.memory_space<vmem>>, %arg6: memref<32x1xf32, #tpu.memory_space<vmem>>, %arg7: memref<32x1xf32, #tpu.memory_space<vmem>>, %arg8: memref<1x3xf32, #tpu.memory_space<vmem>>, %arg9: memref<512x64xf32, #tpu.memory_space<vmem>>, %arg10: memref<1x1x64xf32, #tpu.memory_space<vmem>>, %arg11: memref<1x1x64xf32, #tpu.memory_space<vmem>>) attributes {dimension_semantics = [#tpu.dimension_semantics<arbitrary>], iteration_bounds = array<i64: 98>, scalar_prefetch = 0 : i64, scratch_operands = 0 : i64, tpu.core_type = #tpu.core_type<tc>, window_params = [{transform_indices = @transform_0, window_bounds = array<i64: 1024, 128>}, {transform_indices = @transform_1, window_bounds = array<i64: 3, 512>}, {pipeline_mode = #tpu.pipeline_mode<synchronous>, transform_indices = @transform_2, window_bounds = array<i64: 64, 48>}, {pipeline_mode = #tpu.pipeline_mode<synchronous>, transform_indices = @transform_3, window_bounds = array<i64: 1, 64>}, {pipeline_mode = #tpu.pipeline_mode<synchronous>, transform_indices = @transform_4, window_bounds = array<i64: 64, 64>}, {pipeline_mode = #tpu.pipeline_mode<synchronous>, transform_indices = @transform_5, window_bounds = array<i64: 32, 1>}, {pipeline_mode = #tpu.pipeline_mode<synchronous>, transform_indices = @transform_6, window_bounds = array<i64: 32, 1>}, {pipeline_mode = #tpu.pipeline_mode<synchronous>, transform_indices = @transform_7, window_bounds = array<i64: 1, 3>}, {transform_indices = @transform_8, window_bounds = array<i64: 512, 64>}, {transform_indices = @transform_9, window_bounds = array<i64: 1, 1, 64>}, {transform_indices = @transform_10, window_bounds = array<i64: 1, 1, 64>}]} {
    %get3A = arith.constant 0 : index
    %get3A_0 = arith.constant 0 : index
    %get3A_1 = vector.load %arg1[%get3A, %get3A_0] : memref<1024x128xf32, #tpu.memory_space<vmem>>, vector<1024x128xf32>
    %transpose3A = tpu.transpose %get3A_1, [1, 0] : vector<1024x128xf32> -> vector<128x1024xf32>
    %slice3A = vector.extract_strided_slice %transpose3A {offsets = [0, 0], sizes = [16, 1024], strides = [1, 1]} : vector<128x1024xf32> to vector<16x1024xf32>
    %slice3A_2 = vector.extract_strided_slice %transpose3A {offsets = [16, 0], sizes = [16, 1024], strides = [1, 1]} : vector<128x1024xf32> to vector<16x1024xf32>
    %slice3A_3 = vector.extract_strided_slice %transpose3A {offsets = [32, 0], sizes = [16, 1024], strides = [1, 1]} : vector<128x1024xf32> to vector<16x1024xf32>
    %slice3A_4 = vector.extract_strided_slice %transpose3A {offsets = [48, 0], sizes = [16, 1024], strides = [1, 1]} : vector<128x1024xf32> to vector<16x1024xf32>
    %slice3A_5 = vector.extract_strided_slice %transpose3A {offsets = [64, 0], sizes = [16, 1024], strides = [1, 1]} : vector<128x1024xf32> to vector<16x1024xf32>
    %slice3A_6 = vector.extract_strided_slice %transpose3A {offsets = [80, 0], sizes = [16, 1024], strides = [1, 1]} : vector<128x1024xf32> to vector<16x1024xf32>
    %slice3A_7 = vector.extract_strided_slice %transpose3A {offsets = [96, 0], sizes = [16, 1024], strides = [1, 1]} : vector<128x1024xf32> to vector<16x1024xf32>
    %slice3A_8 = vector.extract_strided_slice %transpose3A {offsets = [112, 0], sizes = [16, 1024], strides = [1, 1]} : vector<128x1024xf32> to vector<16x1024xf32>
    %concatenate3A = tpu.concatenate %slice3A, %slice3A_2, %slice3A_3, %slice3A_4, %slice3A_5, %slice3A_6, %slice3A_7, %slice3A_8 in 1 : vector<16x1024xf32>, vector<16x1024xf32>, vector<16x1024xf32>, vector<16x1024xf32>, vector<16x1024xf32>, vector<16x1024xf32>, vector<16x1024xf32>, vector<16x1024xf32> -> vector<16x8192xf32>
    %slice3A_9 = vector.extract_strided_slice %concatenate3A {offsets = [0, 0], sizes = [3, 8192], strides = [1, 1]} : vector<16x8192xf32> to vector<3x8192xf32>
    %get3A_10 = arith.constant 0 : index
    %get3A_11 = arith.constant 0 : index
    %get3A_12 = vector.load %arg2[%get3A_10, %get3A_11] : memref<3x512xf32, #tpu.memory_space<vmem>>, vector<3x512xf32>
    %concatenate3A_13 = tpu.concatenate %get3A_12, %get3A_12, %get3A_12, %get3A_12, %get3A_12, %get3A_12, %get3A_12, %get3A_12, %get3A_12, %get3A_12, %get3A_12, %get3A_12, %get3A_12, %get3A_12, %get3A_12, %get3A_12 in 1 : vector<3x512xf32>, vector<3x512xf32>, vector<3x512xf32>, vector<3x512xf32>, vector<3x512xf32>, vector<3x512xf32>, vector<3x512xf32>, vector<3x512xf32>, vector<3x512xf32>, vector<3x512xf32>, vector<3x512xf32>, vector<3x512xf32>, vector<3x512xf32>, vector<3x512xf32>, vector<3x512xf32>, vector<3x512xf32> -> vector<3x8192xf32>
    %sub3A = arith.subf %slice3A_9, %concatenate3A_13 : vector<3x8192xf32>
    %get3A_14 = arith.constant 0 : index
    %get3A_15 = arith.constant 0 : index
    %get3A_16 = vector.load %arg8[%get3A_14, %get3A_15] : memref<1x3xf32, #tpu.memory_space<vmem>>, vector<1x3xf32>
    %mul3A = arith.mulf %sub3A, %sub3A : vector<3x8192xf32>
    %dot_general3A = arith.constant dense<0.000000e+00> : vector<1x8192xf32>
    %dot_general3A_17 = tpu.matmul %get3A_16, %mul3A, %dot_general3A {dimension_numbers = #tpu.dot_dimension_numbers<[1], [0], [0], [1], [0, 0, 1, 1], [], []>, transpose_lhs_hint = false} : vector<1x3xf32>, vector<3x8192xf32>, vector<1x8192xf32> -> vector<1x8192xf32>
    %add3A = arith.constant 9.99999997E-7 : f32
    %add3A_18 = vector.broadcast %add3A : f32 to vector<1x8192xf32>
    %add3A_19 = arith.addf %dot_general3A_17, %add3A_18 : vector<1x8192xf32>
    %sqrt3A = math.sqrt %add3A_19 : vector<1x8192xf32>
    %get3A_20 = arith.constant 0 : index
    %get3A_21 = arith.constant 0 : index
    %get3A_22 = vector.load %arg6[%get3A_20, %get3A_21] : memref<32x1xf32, #tpu.memory_space<vmem>>, vector<32x1xf32>
    %get3A_23 = arith.constant 0 : index
    %get3A_24 = arith.constant 0 : index
    %get3A_25 = vector.load %arg7[%get3A_23, %get3A_24] : memref<32x1xf32, #tpu.memory_space<vmem>>, vector<32x1xf32>
    %sub3A_26 = vector.broadcast %sqrt3A : vector<1x8192xf32> to vector<32x8192xf32>
    %sub3A_27 = vector.broadcast %get3A_25 : vector<32x1xf32> to vector<32x8192xf32>
    %sub3A_28 = arith.subf %sub3A_26, %sub3A_27 : vector<32x8192xf32>
    %integer_pow3A = arith.mulf %sub3A_28, %sub3A_28 : vector<32x8192xf32>
    %mul3A_29 = vector.broadcast %get3A_22 : vector<32x1xf32> to vector<32x8192xf32>
    %mul3A_30 = arith.mulf %mul3A_29, %integer_pow3A : vector<32x8192xf32>
    %exp3A = math.exp %mul3A_30 : vector<32x8192xf32>
    %concatenate3A_31 = tpu.concatenate %exp3A, %concatenate3A in 0 : vector<32x8192xf32>, vector<16x8192xf32> -> vector<48x8192xf32>
    %get3A_32 = arith.constant 0 : index
    %get3A_33 = arith.constant 0 : index
    %get3A_34 = vector.load %arg3[%get3A_32, %get3A_33] : memref<64x48xf32, #tpu.memory_space<vmem>>, vector<64x48xf32>
    %dot_general3A_35 = arith.constant dense<0.000000e+00> : vector<64x8192xf32>
    %dot_general3A_36 = tpu.matmul %get3A_34, %concatenate3A_31, %dot_general3A_35 {dimension_numbers = #tpu.dot_dimension_numbers<[1], [0], [0], [1], [0, 0, 1, 1], [], []>, transpose_lhs_hint = false} : vector<64x48xf32>, vector<48x8192xf32>, vector<64x8192xf32> -> vector<64x8192xf32>
    %max3A = arith.constant 0.000000e+00 : f32
    %max3A_37 = vector.broadcast %max3A : f32 to vector<64x8192xf32>
    %max3A_38 = arith.maximumf %dot_general3A_36, %max3A_37 : vector<64x8192xf32>
    %get3A_39 = arith.constant 0 : index
    %get3A_40 = arith.constant 0 : index
    %get3A_41 = vector.load %arg4[%get3A_39, %get3A_40] : memref<1x64xf32, #tpu.memory_space<vmem>>, vector<1x64xf32>
    %dot_general3A_42 = arith.constant dense<0.000000e+00> : vector<1x8192xf32>
    %dot_general3A_43 = tpu.matmul %get3A_41, %max3A_38, %dot_general3A_42 {dimension_numbers = #tpu.dot_dimension_numbers<[1], [0], [0], [1], [0, 0, 1, 1], [], []>, transpose_lhs_hint = false} : vector<1x64xf32>, vector<64x8192xf32>, vector<1x8192xf32> -> vector<1x8192xf32>
    %exp3A_44 = math.exp %dot_general3A_43 : vector<1x8192xf32>
    %mul3A_45 = vector.broadcast %exp3A_44 : vector<1x8192xf32> to vector<64x8192xf32>
    %mul3A_46 = arith.mulf %max3A_38, %mul3A_45 : vector<64x8192xf32>
    %slice3A_47 = vector.extract_strided_slice %mul3A_46 {offsets = [0, 0], sizes = [64, 512], strides = [1, 1]} : vector<64x8192xf32> to vector<64x512xf32>
    %slice3A_48 = vector.extract_strided_slice %exp3A_44 {offsets = [0, 0], sizes = [1, 512], strides = [1, 1]} : vector<1x8192xf32> to vector<1x512xf32>
    %slice3A_49 = vector.extract_strided_slice %mul3A_46 {offsets = [0, 512], sizes = [64, 512], strides = [1, 1]} : vector<64x8192xf32> to vector<64x512xf32>
    %add3A_50 = arith.addf %slice3A_47, %slice3A_49 : vector<64x512xf32>
    %slice3A_51 = vector.extract_strided_slice %exp3A_44 {offsets = [0, 512], sizes = [1, 512], strides = [1, 1]} : vector<1x8192xf32> to vector<1x512xf32>
    %add3A_52 = arith.addf %slice3A_48, %slice3A_51 : vector<1x512xf32>
    %slice3A_53 = vector.extract_strided_slice %mul3A_46 {offsets = [0, 1024], sizes = [64, 512], strides = [1, 1]} : vector<64x8192xf32> to vector<64x512xf32>
    %add3A_54 = arith.addf %add3A_50, %slice3A_53 : vector<64x512xf32>
    %slice3A_55 = vector.extract_strided_slice %exp3A_44 {offsets = [0, 1024], sizes = [1, 512], strides = [1, 1]} : vector<1x8192xf32> to vector<1x512xf32>
    %add3A_56 = arith.addf %add3A_52, %slice3A_55 : vector<1x512xf32>
    %slice3A_57 = vector.extract_strided_slice %mul3A_46 {offsets = [0, 1536], sizes = [64, 512], strides = [1, 1]} : vector<64x8192xf32> to vector<64x512xf32>
    %add3A_58 = arith.addf %add3A_54, %slice3A_57 : vector<64x512xf32>
    %slice3A_59 = vector.extract_strided_slice %exp3A_44 {offsets = [0, 1536], sizes = [1, 512], strides = [1, 1]} : vector<1x8192xf32> to vector<1x512xf32>
    %add3A_60 = arith.addf %add3A_56, %slice3A_59 : vector<1x512xf32>
    %slice3A_61 = vector.extract_strided_slice %mul3A_46 {offsets = [0, 2048], sizes = [64, 512], strides = [1, 1]} : vector<64x8192xf32> to vector<64x512xf32>
    %add3A_62 = arith.addf %add3A_58, %slice3A_61 : vector<64x512xf32>
    %slice3A_63 = vector.extract_strided_slice %exp3A_44 {offsets = [0, 2048], sizes = [1, 512], strides = [1, 1]} : vector<1x8192xf32> to vector<1x512xf32>
    %add3A_64 = arith.addf %add3A_60, %slice3A_63 : vector<1x512xf32>
    %slice3A_65 = vector.extract_strided_slice %mul3A_46 {offsets = [0, 2560], sizes = [64, 512], strides = [1, 1]} : vector<64x8192xf32> to vector<64x512xf32>
    %add3A_66 = arith.addf %add3A_62, %slice3A_65 : vector<64x512xf32>
    %slice3A_67 = vector.extract_strided_slice %exp3A_44 {offsets = [0, 2560], sizes = [1, 512], strides = [1, 1]} : vector<1x8192xf32> to vector<1x512xf32>
    %add3A_68 = arith.addf %add3A_64, %slice3A_67 : vector<1x512xf32>
    %slice3A_69 = vector.extract_strided_slice %mul3A_46 {offsets = [0, 3072], sizes = [64, 512], strides = [1, 1]} : vector<64x8192xf32> to vector<64x512xf32>
    %add3A_70 = arith.addf %add3A_66, %slice3A_69 : vector<64x512xf32>
    %slice3A_71 = vector.extract_strided_slice %exp3A_44 {offsets = [0, 3072], sizes = [1, 512], strides = [1, 1]} : vector<1x8192xf32> to vector<1x512xf32>
    %add3A_72 = arith.addf %add3A_68, %slice3A_71 : vector<1x512xf32>
    %slice3A_73 = vector.extract_strided_slice %mul3A_46 {offsets = [0, 3584], sizes = [64, 512], strides = [1, 1]} : vector<64x8192xf32> to vector<64x512xf32>
    %add3A_74 = arith.addf %add3A_70, %slice3A_73 : vector<64x512xf32>
    %slice3A_75 = vector.extract_strided_slice %exp3A_44 {offsets = [0, 3584], sizes = [1, 512], strides = [1, 1]} : vector<1x8192xf32> to vector<1x512xf32>
    %add3A_76 = arith.addf %add3A_72, %slice3A_75 : vector<1x512xf32>
    %slice3A_77 = vector.extract_strided_slice %mul3A_46 {offsets = [0, 4096], sizes = [64, 512], strides = [1, 1]} : vector<64x8192xf32> to vector<64x512xf32>
    %add3A_78 = arith.addf %add3A_74, %slice3A_77 : vector<64x512xf32>
    %slice3A_79 = vector.extract_strided_slice %exp3A_44 {offsets = [0, 4096], sizes = [1, 512], strides = [1, 1]} : vector<1x8192xf32> to vector<1x512xf32>
    %add3A_80 = arith.addf %add3A_76, %slice3A_79 : vector<1x512xf32>
    %slice3A_81 = vector.extract_strided_slice %mul3A_46 {offsets = [0, 4608], sizes = [64, 512], strides = [1, 1]} : vector<64x8192xf32> to vector<64x512xf32>
    %add3A_82 = arith.addf %add3A_78, %slice3A_81 : vector<64x512xf32>
    %slice3A_83 = vector.extract_strided_slice %exp3A_44 {offsets = [0, 4608], sizes = [1, 512], strides = [1, 1]} : vector<1x8192xf32> to vector<1x512xf32>
    %add3A_84 = arith.addf %add3A_80, %slice3A_83 : vector<1x512xf32>
    %slice3A_85 = vector.extract_strided_slice %mul3A_46 {offsets = [0, 5120], sizes = [64, 512], strides = [1, 1]} : vector<64x8192xf32> to vector<64x512xf32>
    %add3A_86 = arith.addf %add3A_82, %slice3A_85 : vector<64x512xf32>
    %slice3A_87 = vector.extract_strided_slice %exp3A_44 {offsets = [0, 5120], sizes = [1, 512], strides = [1, 1]} : vector<1x8192xf32> to vector<1x512xf32>
    %add3A_88 = arith.addf %add3A_84, %slice3A_87 : vector<1x512xf32>
    %slice3A_89 = vector.extract_strided_slice %mul3A_46 {offsets = [0, 5632], sizes = [64, 512], strides = [1, 1]} : vector<64x8192xf32> to vector<64x512xf32>
    %add3A_90 = arith.addf %add3A_86, %slice3A_89 : vector<64x512xf32>
    %slice3A_91 = vector.extract_strided_slice %exp3A_44 {offsets = [0, 5632], sizes = [1, 512], strides = [1, 1]} : vector<1x8192xf32> to vector<1x512xf32>
    %add3A_92 = arith.addf %add3A_88, %slice3A_91 : vector<1x512xf32>
    %slice3A_93 = vector.extract_strided_slice %mul3A_46 {offsets = [0, 6144], sizes = [64, 512], strides = [1, 1]} : vector<64x8192xf32> to vector<64x512xf32>
    %add3A_94 = arith.addf %add3A_90, %slice3A_93 : vector<64x512xf32>
    %slice3A_95 = vector.extract_strided_slice %exp3A_44 {offsets = [0, 6144], sizes = [1, 512], strides = [1, 1]} : vector<1x8192xf32> to vector<1x512xf32>
    %add3A_96 = arith.addf %add3A_92, %slice3A_95 : vector<1x512xf32>
    %slice3A_97 = vector.extract_strided_slice %mul3A_46 {offsets = [0, 6656], sizes = [64, 512], strides = [1, 1]} : vector<64x8192xf32> to vector<64x512xf32>
    %add3A_98 = arith.addf %add3A_94, %slice3A_97 : vector<64x512xf32>
    %slice3A_99 = vector.extract_strided_slice %exp3A_44 {offsets = [0, 6656], sizes = [1, 512], strides = [1, 1]} : vector<1x8192xf32> to vector<1x512xf32>
    %add3A_100 = arith.addf %add3A_96, %slice3A_99 : vector<1x512xf32>
    %slice3A_101 = vector.extract_strided_slice %mul3A_46 {offsets = [0, 7168], sizes = [64, 512], strides = [1, 1]} : vector<64x8192xf32> to vector<64x512xf32>
    %add3A_102 = arith.addf %add3A_98, %slice3A_101 : vector<64x512xf32>
    %slice3A_103 = vector.extract_strided_slice %exp3A_44 {offsets = [0, 7168], sizes = [1, 512], strides = [1, 1]} : vector<1x8192xf32> to vector<1x512xf32>
    %add3A_104 = arith.addf %add3A_100, %slice3A_103 : vector<1x512xf32>
    %slice3A_105 = vector.extract_strided_slice %mul3A_46 {offsets = [0, 7680], sizes = [64, 512], strides = [1, 1]} : vector<64x8192xf32> to vector<64x512xf32>
    %add3A_106 = arith.addf %add3A_102, %slice3A_105 : vector<64x512xf32>
    %slice3A_107 = vector.extract_strided_slice %exp3A_44 {offsets = [0, 7680], sizes = [1, 512], strides = [1, 1]} : vector<1x8192xf32> to vector<1x512xf32>
    %add3A_108 = arith.addf %add3A_104, %slice3A_107 : vector<1x512xf32>
    %get3A_109 = arith.constant 0 : index
    %get3A_110 = arith.constant 0 : index
    %get3A_111 = vector.load %arg5[%get3A_109, %get3A_110] : memref<64x64xf32, #tpu.memory_space<vmem>>, vector<64x64xf32>
    %div3A = vector.broadcast %add3A_108 : vector<1x512xf32> to vector<64x512xf32>
    %div3A_112 = arith.divf %add3A_106, %div3A : vector<64x512xf32>
    %dot_general3A_113 = arith.constant dense<0.000000e+00> : vector<64x512xf32>
    %dot_general3A_114 = tpu.matmul %get3A_111, %div3A_112, %dot_general3A_113 {dimension_numbers = #tpu.dot_dimension_numbers<[1], [0], [0], [1], [0, 0, 1, 1], [], []>, transpose_lhs_hint = false} : vector<64x64xf32>, vector<64x512xf32>, vector<64x512xf32> -> vector<64x512xf32>
    %transpose3A_115 = tpu.transpose %dot_general3A_114, [1, 0] : vector<64x512xf32> -> vector<512x64xf32>
    %iota3A = tpu.iota {dimensions = array<i32: 0>} : vector<512x1xi32>
    %eq3A = arith.constant 97 : i32
    %eq3A_116 = arith.cmpi eq, %arg0, %eq3A : i32
    %jit3A = arith.constant 336 : i32
    %jit3A_117 = arith.constant 512 : i32
    %select_n3A = arith.select %eq3A_116, %jit3A, %jit3A_117 : i32
    %lt3A = vector.broadcast %select_n3A : i32 to vector<512x1xi32>
    %lt3A_118 = arith.cmpi slt, %iota3A, %lt3A : vector<512x1xi32>
    %convert_element_type3A = arith.extui %lt3A_118 : vector<512x1xi1> to vector<512x1xi32>
    %convert_element_type3A_119 = arith.sitofp %convert_element_type3A : vector<512x1xi32> to vector<512x1xf32>
    %mul3A_120 = vector.broadcast %convert_element_type3A_119 : vector<512x1xf32> to vector<512x64xf32>
    %mul3A_121 = arith.mulf %transpose3A_115, %mul3A_120 : vector<512x64xf32>
    %swap3A = arith.constant 0 : index
    %swap3A_122 = arith.constant 0 : index
    %swap3A_123 = vector.load %arg9[%swap3A, %swap3A_122] : memref<512x64xf32, #tpu.memory_space<vmem>>, vector<512x64xf32>
    tpu.vector_store %arg9[%swap3A, %swap3A_122], %transpose3A_115 {strides = array<i32>} : memref<512x64xf32, #tpu.memory_space<vmem>>, vector<512x64xf32>,
    %reduce_sum3A = arith.constant dense<0.000000e+00> : vector<64xf32>
    %reduce_sum3A_124 = vector.multi_reduction <add>, %mul3A_121, %reduce_sum3A [0] : vector<512x64xf32> to vector<64xf32>
    %broadcast_in_dim3A = vector.shape_cast %reduce_sum3A_124 : vector<64xf32> to vector<1x64xf32>
    %reshape3A = vector.shape_cast %broadcast_in_dim3A : vector<1x64xf32> to vector<1x1x64xf32>
    %swap3A_125 = arith.constant 0 : index
    %swap3A_126 = arith.constant 0 : index
    %swap3A_127 = arith.constant 0 : index
    %swap3A_128 = vector.load %arg10[%swap3A_125, %swap3A_126, %swap3A_127] : memref<1x1x64xf32, #tpu.memory_space<vmem>>, vector<1x1x64xf32>
    tpu.vector_store %arg10[%swap3A_125, %swap3A_126, %swap3A_127], %reshape3A {strides = array<i32>} : memref<1x1x64xf32, #tpu.memory_space<vmem>>, vector<1x1x64xf32>,
    %mul3A_129 = arith.mulf %mul3A_121, %mul3A_121 : vector<512x64xf32>
    %reduce_sum3A_130 = arith.constant dense<0.000000e+00> : vector<64xf32>
    %reduce_sum3A_131 = vector.multi_reduction <add>, %mul3A_129, %reduce_sum3A_130 [0] : vector<512x64xf32> to vector<64xf32>
    %broadcast_in_dim3A_132 = vector.shape_cast %reduce_sum3A_131 : vector<64xf32> to vector<1x64xf32>
    %reshape3A_133 = vector.shape_cast %broadcast_in_dim3A_132 : vector<1x64xf32> to vector<1x1x64xf32>
    %swap3A_134 = arith.constant 0 : index
    %swap3A_135 = arith.constant 0 : index
    %swap3A_136 = arith.constant 0 : index
    %swap3A_137 = vector.load %arg11[%swap3A_134, %swap3A_135, %swap3A_136] : memref<1x1x64xf32, #tpu.memory_space<vmem>>, vector<1x1x64xf32>
    tpu.vector_store %arg11[%swap3A_134, %swap3A_135, %swap3A_136], %reshape3A_133 {strides = array<i32>} : memref<1x1x64xf32, #tpu.memory_space<vmem>>, vector<1x1x64xf32>,
    return
  }
  func.func @transform_0(%arg0: i32) -> (i32, i32) {
    %c0_i32 = arith.constant 0 : i32
    %c0_i32_0 = arith.constant 0 : i32
    return %arg0, %c0_i32 : i32, i32
  }
  func.func @transform_1(%arg0: i32) -> (i32, i32) {
    %c0_i32 = arith.constant 0 : i32
    %c0_i32_0 = arith.constant 0 : i32
    return %c0_i32, %arg0 : i32, i32
  }
  func.func @transform_2(%arg0: i32) -> (i32, i32) {
    %c0_i32 = arith.constant 0 : i32
    %c0_i32_0 = arith.constant 0 : i32
    %c0_i32_1 = arith.constant 0 : i32
    return %c0_i32, %c0_i32_0 : i32, i32
  }
  func.func @transform_3(%arg0: i32) -> (i32, i32) {
    %c0_i32 = arith.constant 0 : i32
    %c0_i32_0 = arith.constant 0 : i32
    %c0_i32_1 = arith.constant 0 : i32
    return %c0_i32, %c0_i32_0 : i32, i32
  }
  func.func @transform_4(%arg0: i32) -> (i32, i32) {
    %c0_i32 = arith.constant 0 : i32
    %c0_i32_0 = arith.constant 0 : i32
    %c0_i32_1 = arith.constant 0 : i32
    return %c0_i32, %c0_i32_0 : i32, i32
  }
  func.func @transform_5(%arg0: i32) -> (i32, i32) {
    %c0_i32 = arith.constant 0 : i32
    %c0_i32_0 = arith.constant 0 : i32
    %c0_i32_1 = arith.constant 0 : i32
    return %c0_i32, %c0_i32_0 : i32, i32
  }
  func.func @transform_6(%arg0: i32) -> (i32, i32) {
    %c0_i32 = arith.constant 0 : i32
    %c0_i32_0 = arith.constant 0 : i32
    %c0_i32_1 = arith.constant 0 : i32
    return %c0_i32, %c0_i32_0 : i32, i32
  }
  func.func @transform_7(%arg0: i32) -> (i32, i32) {
    %c0_i32 = arith.constant 0 : i32
    %c0_i32_0 = arith.constant 0 : i32
    %c0_i32_1 = arith.constant 0 : i32
    return %c0_i32, %c0_i32_0 : i32, i32
  }
  func.func @transform_8(%arg0: i32) -> (i32, i32) {
    %c0_i32 = arith.constant 0 : i32
    %c0_i32_0 = arith.constant 0 : i32
    return %arg0, %c0_i32 : i32, i32
  }
  func.func @transform_9(%arg0: i32) -> (i32, i32, i32) {
    %c0_i32 = arith.constant 0 : i32
    %c0_i32_0 = arith.constant 0 : i32
    %c0_i32_1 = arith.constant 0 : i32
    return %arg0, %c0_i32, %c0_i32_0 : i32, i32, i32
  }
  func.func @transform_10(%arg0: i32) -> (i32, i32, i32) {
    %c0_i32 = arith.constant 0 : i32
    %c0_i32_0 = arith.constant 0 : i32
    %c0_i32_1 = arith.constant 0 : i32
    return %arg0, %c0_i32, %c0_i32_0 : i32, i32, i32
  }
}

</mosaic_0001>

<sc_bundles>
// kernel: gather_offload_async_start
scs
__scs_entry_jumppad:
0x0: {  	(pc) =	sbr.rel $0x88, $3  }
0x1: {  	(tag) =	ssettag $0x0;
	lr =	simm.s32 $0x1  }
0x2: {  	[smem:$0x3F95] =	sst lr;
	_ =	strace $0xD0000000  }
0x3: {  	_ = 	snop  }
0x4: {  	_ = 	snop  }
0x5: {  	_ = 	snop  }
0x6: {  	_ = 	snop  }
0x7: {  	_ = 	snop  }
__scs_overlays_trampoline_lowered:
0x8: {  	[smem:$0x3FA4] =	sst s0  }
0x9: {  	[smem:$0x3FA5] =	sst s1  }
0xa: {  	[smem:$0x3FA6] =	sst s2  }
0xb: {  	[smem:$0x3FA7] =	sst s3  }
0xc: {  	[smem:$0x3FA8] =	sst s4  }
0xd: {  	[smem:$0x3FA9] =	sst s5  }
0xe: {  	[smem:$0x3FAA] =	sst s6  }
0xf: {  	[smem:$0x3FAB] =	sst s7  }
0x10: {  	[smem:$0x3FAC] =	sst s8  }
0x11: {  	[smem:$0x3FAD] =	sst s9;
	s0 =	simm.s32 @!p0 $0x0  }
0x12: {  	s1 =	sld [smem:$0x3F93];
	s0 =	simm.s32 @p0 $0x1  }
0x13: {  	[smem:$0x3FAE] =	sst s0;
	s0 =	simm.s32 @!p1 $0x0  }
0x14: {  	s2 =	sld [smem:$0x3F92];
	s0 =	simm.s32 @p1 $0x1  }
0x15: {  	[smem:$0x3FAF] =	sst s0;
	s0 =	simm.s32 @!p2 $0x0  }
0x16: {  	s3 =	sld [smem:$0x3FDB];
	s0 =	simm.s32 @p2 $0x1  }
0x17: {  	s4 =	simm.s32 $0x1BF5;
	[smem:$0x3FB1] =	sst s0  }
0x18: {  	s0 =	sld [smem:$0x3F94];
	_ =	swait.ge [sflag:s4], $0x0  }
0x19: {  	s7 =	sld [smem:$0x3F95]  }
0x1a: {  	s8 =	sadd.s32 $0xFFFFE003, lr  }
0x1b: {  	s9 =	sadd.s32 $0xFFFFFEF7, lr;
	s5 =	simm.s32 $0xFFFFFFFF;
	p2 =	slt.u32 s8, $0xFFFFF086  }
0x1c: {  	p1 =	slt.u32 s9, $0xF7A;
	s5 =	simm.s32 @!p2 $0x0  }
0x1d: {  	s5 =	simm.s32 @p1 $0x1;
	p0 =	seq.s32 s7, s2  }
0x1e: {  	s7 =	smul.u32 @!p0 $0xF7A, s2;
	p2 =	seq.s32 @!p0 s5, $0x0  }
0x1f: {  	s9 =	smul.u32 $0xF7A, s1;
	s8 =	simm.s32 @!p0 $0x1BF5;
	p2 =	por !p2, p0  }
0x20: {  	[sflag:s8] =	ssyncset.s32 @!p0 $0xFFFFF086;
	s6 =	sadd.s32 @!p0 s3, s7;
	s7 =	simm.s32 @!p0 $0x108  }
0x21: {  	s3 =	sadd.s32 s3, s9;
	s6 =	sadd.s32 @!p0 $0x88, s6;
	s7 =	simm.s32 @p2 $0x1082  }
0x22: {  	[simem:s7], [sflag:s8] =	dma.local @!p0 [hbm:s6], $0xF7A  }
0x23: {  	s9 =	sor.u32 $0xD0000000, s2;
	s6 =	simm.s32 $0x108;
	_ =	swait.ge @!p0 [sflag:s8], $0x0  }
0x24: {  	s3 =	sadd.s32 $0x88, s3;
	s6 =	simm.s32 @!p1 $0x1082;
	[sflag:s4] =	ssyncset.s32 $0xFFFFF086  }
0x25: {  	[simem:s6], [sflag:s4] =	dma.local [hbm:s3], $0xF7A  }
0x26: {  	[smem:$0x3F95] =	sst s1;
	(tag) =	ssettag s2;
	_ =	strace s9  }
0x27: {  	s1 =	sld [smem:$0x3FA5]  }
0x28: {  	s2 =	sld [smem:$0x3FA6]  }
0x29: {  	s4 =	sld [smem:$0x3FA8]  }
0x2a: {  	p0 =	seq.s32 s5, $0x0;
	s5 =	sld [smem:$0x3FA9]  }
0x2b: {  	s6 =	sld [smem:$0x3FAA]  }
0x2c: {  	s7 =	sld [smem:$0x3FAB]  }
0x2d: {  	s3 =	simm.s32 $0x108;
	s8 =	sld [smem:$0x3FAC]  }
0x2e: {  	s3 =	simm.s32 @!p0 $0x1082;
	s9 =	sld [smem:$0x3FAD]  }
0x2f: {  	lr =	sadd.s32 s0, s3;
	s0 =	sld [smem:$0x3FA4]  }
0x30: {  	s3 =	sld [smem:$0x3FA7]  }
0x31: {  	[smem:$0x3FB0] =	sst s10  }
0x32: {  	s10 =	sld [smem:$0x3FAE];
	_ =	sdelay $0x3  }
0x33: {  	p0 =	seq.s32 s10, $0x1;
	s10 =	sld [smem:$0x3FB0];
	_ =	sdelay $0x3  }
0x34: {  	[smem:$0x3FB0] =	sst s10  }
0x35: {  	s10 =	sld [smem:$0x3FAF];
	_ =	sdelay $0x3  }
0x36: {  	p1 =	seq.s32 s10, $0x1;
	s10 =	sld [smem:$0x3FB0];
	_ =	sdelay $0x3  }
0x37: {  	[smem:$0x3FB0] =	sst s10  }
0x38: {  	s10 =	sld [smem:$0x3FB1]  }
0x39: {  	_ = 	snop;
	(pc) =	sbr.ind lr, $3  }
0x3a: {  	_ = 	snop  }
0x3b: {  	_ = 	snop  }
0x3c: {  	p2 =	seq.s32 s10, $0x1;
	s10 =	sld [smem:$0x3FB0]  }
0x3d: {  	_ =	shalt  }
0x3e: {  	_ =	shalt  }
0x3f: {  	_ =	shalt  }
0x40: {  	_ =	shalt  }
0x41: {  	_ =	shalt  }
0x42: {  	_ =	shalt  }
0x43: {  	_ =	shalt  }
0x44: {  	_ =	shalt  }
0x45: {  	_ =	shalt  }
0x46: {  	_ =	shalt  }
0x47: {  	_ =	shalt  }
0x48: {  	_ =	shalt  }
0x49: {  	_ =	shalt  }
0x4a: {  	_ =	shalt  }
0x4b: {  	_ =	shalt  }
0x4c: {  	_ =	shalt  }
0x4d: {  	_ =	shalt  }
0x4e: {  	_ =	shalt  }
0x4f: {  	_ =	shalt  }
0x50: {  	_ =	shalt  }
0x51: {  	_ =	shalt  }
0x52: {  	_ =	shalt  }
0x53: {  	_ =	shalt  }
0x54: {  	_ =	shalt  }
0x55: {  	_ =	shalt  }
0x56: {  	_ =	shalt  }
0x57: {  	_ =	shalt  }
0x58: {  	_ =	shalt  }
0x59: {  	_ =	shalt  }
0x5a: {  	_ =	shalt  }
0x5b: {  	_ =	shalt  }
0x5c: {  	_ =	shalt  }
0x5d: {  	_ =	shalt  }
0x5e: {  	_ =	shalt  }
0x5f: {  	_ =	shalt  }
0x60: {  	_ =	shalt  }
0x61: {  	_ =	shalt  }
0x62: {  	_ =	shalt  }
0x63: {  	_ =	shalt  }
0x64: {  	_ =	shalt  }
0x65: {  	_ =	shalt  }
0x66: {  	_ =	shalt  }
0x67: {  	_ =	shalt  }
0x68: {  	_ =	shalt  }
0x69: {  	_ =	shalt  }
0x6a: {  	_ =	shalt  }
0x6b: {  	_ =	shalt  }
0x6c: {  	_ =	shalt  }
0x6d: {  	_ =	shalt  }
0x6e: {  	_ =	shalt  }
0x6f: {  	_ =	shalt  }
0x70: {  	_ =	shalt  }
0x71: {  	_ =	shalt  }
0x72: {  	_ =	shalt  }
0x73: {  	_ =	shalt  }
0x74: {  	_ =	shalt  }
0x75: {  	_ =	shalt  }
0x76: {  	_ =	shalt  }
0x77: {  	_ =	shalt  }
0x78: {  	_ =	shalt  }
0x79: {  	_ =	shalt  }
0x7a: {  	_ =	shalt  }
0x7b: {  	_ =	shalt  }
0x7c: {  	_ =	shalt  }
0x7d: {  	_ =	shalt  }
0x7e: {  	_ =	shalt  }
0x7f: {  	_ =	shalt  }
0x80: {  	_ =	shalt  }
0x81: {  	_ =	shalt  }
0x82: {  	_ =	shalt  }
0x83: {  	_ =	shalt  }
0x84: {  	_ =	shalt  }
0x85: {  	_ =	shalt  }
0x86: {  	_ =	shalt  }
0x87: {  	_ =	shalt  }
.Lfunc_end0:
.L_simem_size_0:
called_computation_lowered:
.L_overlay_start_0:
0x88: {  	s2 =	sld [smem:$0x3FD9]  }
0x89: {  	s3 =	sld [smem:$0x3FFE];
	_ =	sdelay $0x1  }
0x8a: {  	s1 =	srdreg.scid  }
0x8b: {  	s0 =	sand.u32 $0x1, s1  }
0x8c: {  	s17 =	sshll.u32 s0, $0xA;
	s2 =	sadd.s32 s3, s2  }
0x8d: {  	s2 =	sadd.s32 s2, s17  }
0x8e: {  	[smem:$0x3FBC] =	sst s2  }
0x8f: {  	_ = 	snop  }
0x90: {  	s2 =	sld [smem:$0x3FD0];
	(tm) =	ssettm $0x1  }
0x91: {  	s18 =	sld [smem:$0x3FFB];
	_ =	sdelay $0x3  }
0x92: {  	_ =	strace s18  }
0x93: {  	s3 =	sld [smem:$0x3FFC];
	_ =	sdelay $0x3  }
0x94: {  	_ =	strace s3  }
0x95: {  	s3 =	sld [smem:$0x3FFD];
	_ =	sdelay $0x3  }
0x96: {  	_ =	strace s3  }
0x97: {  	_ =	strace $0x8FFFFFFF  }
0x98: {  	s19 =	sld [smem:$0x3FDB];
	_ =	sdelay $0x1  }
0x99: {  	s4 =	simm.s32 $_scs_section_size  }
0x9a: {  	s5 =	simm.s32 $_size__tile_overlayer_lowered;
	s6 =	simm.s32 $_tile_overlayer_lowered  }
0x9b: {  	s22 =	simm.s32 $0x1BFF;
	s21 =	sshll.u32 s6, $0x1;
	s3 =	sadd.s32 s4, s19  }
0x9c: {  	s7 =	simm.s32 $0x0;
	s20 =	sshll.u32 s5, $0x1;
	s5 =	sadd.s32 s21, s3  }
0x9d: {  	[timem:s7], [sflag:s22] =	dma.local [hbm:s5], s20  }
0x9e: {  	_ =	swait.ge [sflag:s22], s20  }
0x9f: {  	s4 =	ssub.s32 $0x0, s20;
	[sflag:s22] =	ssyncset.done $0x0  }
0xa0: {  	[sflag:s22] =	ssyncadd.s32 s4;
	_ =	sdelay $0x1  }
0xa1: {  	s23 =	simm.s32 $0x1B8B  }
0xa2: {  	_ =	swait.ge [sflag:s23], $0x1  }
0xa3: {  	[sflag:s23] =	ssyncset.done $0x0  }
0xa4: {  	s25 =	simm.s32 $0x1B8E;
	s24 =	sld [smem:$0x3FFE];
	[sflag:s23] =	ssyncadd.s32 $0xFFFFFFFF  }
0xa5: {  	s26 =	simm.s32 $execute0_lowered;
	[smem:$0x3FD2] =	sst s25  }
0xa6: {  	s5 =	sshll.u32 s26, $0x1;
	_ =	strace $0x80000046;
	[dreg:$0x1] =	wrdreg $0xFFFFFFFF  }
0xa7: {  	s28 =	simm.s32 $_size_execute0_lowered;
	s3 =	sadd.s32 s3, s5;
	[dreg:$0x0] =	wrdreg $0x0  }
0xa8: {  	s5 =	sshll.u32 s28, $0x1;
	[dreg:$0x2] =	wrdreg s3  }
0xa9: {  	[dreg:$0x3] =	wrdreg s5  }
0xaa: {  	[dreg:$0x4] =	wrdreg $0xC0  }
0xab: {  	_ =	task [dreg:s7], $0x5FFFF  }
0xac: {  	[dreg:$0x1] =	wrdreg $0xFFFFFFFF  }
0xad: {  	[dreg:$0x0] =	wrdreg $0x60  }
0xae: {  	[dreg:$0x2] =	wrdreg s2  }
0xaf: {  	[dreg:$0x3] =	wrdreg s24  }
0xb0: {  	[dreg:$0x4] =	wrdreg $0x9  }
0xb1: {  	_ =	task.clear_ibuf [dreg:s7], $0x5FFFF;
	_ =	strace $0x90000046  }
0xb2: {  	s29 =	simm.s32 $0x9;
	_ =	strace $0x80000048  }
0xb3: {  	_ =	swait.ge [sflag:s29], $0x1  }
0xb4: {  	[sflag:s29] =	ssyncadd.s32 $0xFFFFFFFF  }
0xb5: {  	_ =	strace $0x90000048  }
0xb6: {  	_ =	sfence  }
0xb7: {  	s30 =	sld [smem:$0x0];
	_ =	sdelay $0x2  }
0xb8: {  	s31 =	sshll.u32 s1, $0xD;
	s1 =	sshrl.u32 s1, $0x2  }
0xb9: {  	s3 =	sand.u32 $0x4000, s31;
	s1 =	sadd.s32 s1, s30  }
0xba: {  	s0 =	sor.u32 s3, s0;
	s1 =	sshll.u32 s1, $0x11  }
0xbb: {  	s0 =	sor.u32 s1, s0  }
0xbc: {  	s0 =	sadd.s32 $0x8F2B, s0  }
0xbd: {  	[sflag:s0] =	ssyncadd.remote.s32 $0x1  }
0xbe: {  	_ =	sfence.sel $0xFFFF  }
0xbf: {  	[dreg:$0x0] =	wrdreg $0xFFFFFFFF;
	(pc) =	sbr.abs _section_cstart, $3  }
0xc0: {  	[dreg:$0x1] =	wrdreg $0xFFFFFFFF  }
0xc1: {  	_ =	task.clear_ibuf [dreg:s7], $0x2FFFF;
	_ =	strace $0x9FFFFFFF  }
0xc2: {  	(tm) =	ssettm $0x7FFFFFFF  }
0xc3: {  	_ =	shalt  }
tec
execute0_lowered:
.L_overlay_start_1:
0x0: {  	(tag) =	ssettag $0x1  }
0x1: {  	s2 =	rddreg [dreg:$0x0]  }
0x2: {  	s7 =	rddreg [dreg:$0x1]  }
0x3: {  	s0 =	rddreg [dreg:$0x2]  }
0x4: {  	s1 =	srdreg.scid;
	_ =	strace $0x80000047;
	s4 =	simm.s32 $0x1  }
0x5: {  	s9 =	simm.s32 $0x3;
	s12 =	simm.s32 $0x0;
	s5 =	sshll.u32 s1, $0x4  }
.Ltmp0:
0x6: {  	s1 =	stileid.u32;
	s5 =	sand.u32 $0x10, s5;
	(pc) =	sbr.rel .LBB2_1-.Ltmp0, $4  }
0x7: {  	s10 =	simm.s32 $0x0;
	s3 =	sadd.s32 $0x2000, s7;
	s6 =	sor.u32 s1, s5  }
0x8: {  	[sflag:s4] =	ssyncpa.u1 $0x0;
	s5 =	simm.s32 $0x2;
	s6 =	sshll.u32 s6, $0x8  }
0x9: {  	s7 =	sadd.s32 $0x2400, s7;
	[sflag:s5] =	ssyncpa.u1 $0x0;
	s8 =	sadd.s32 $0x100, s6  }
0xa: {  	vm0 =	vmmov $0xff;
	vm1 =	vcmask $0x3F20;
	[sflag:s9] =	ssyncpa.u1 $0x0;
	s9 =	simm.s32 $0x100;
	s11 =	smov.u32 s6  }
.LBB2_9:
0xb: {  	p0 =	seq.s32 s10, $0x2  }
.Ltmp1:
0xc: {  	_ = 	snop;
	(pc) =	sbr.rel @p0 .LBB2_11-.Ltmp1, $1  }
0xd: {  	_ =	sdelay $0x3  }
.LBB2_10:
0xe: {  	s12 =	sadd.s32 $0x100, s11  }
0xf: {  	s13 =	smov.u32 s6;
	p0 =	slt.s32 s12, s8  }
0x10: {  	s13 =	smov.u32 @p0 s12  }
0x11: {  	s10 =	sadd.s32 $0x1, s10;
	s12 =	smov.u32 s11;
	s11 =	smov.u32 s13  }
.LBB2_1:
0x12: {  	p0 =	sne.s32 s10, $0x0  }
.Ltmp2:
0x13: {  	_ = 	snop;
	(pc) =	sbr.rel @!p0 .LBB2_2-.Ltmp2, $1  }
0x14: {  	_ =	sdelay $0x3  }
0x15: {  	s13 =	sand.u32 $0x1, s10  }
0x16: {  	p0 =	seq.s32 s13, $0x0  }
.Ltmp3:
0x17: {  	_ = 	snop;
	(pc) =	sbr.rel @p0 .LBB2_9-.Ltmp3, $1  }
0x18: {  	_ =	sdelay $0x3  }
0x19: {  	_ =	swait.ge [sflag:s5], $0x100  }
0x1a: {  	[sflag:s5] =	ssyncset.done $0x0  }
0x1b: {  	s13 =	simm.s32 $0x0;
	[sflag:s5] =	ssyncadd.s32 $0xFFFFFF00  }
0x1c: {  	v0 =	vld.msk [tilespmem:s13+$0x100 ss:$0x1], $0xffff;
	_ =	sdelay $0x4  }
0x1d: {  	vm2 =	vgt.s32 v0, $0x0  }
0x1e: {  	v0 =	vnsel vm2, $0x0, v0  }
0x1f: {  	v0 =	vmin.u32 v0, $0x1FFF  }
0x20: {  	v0 =	vshll.u32 v0, $0x4;
	_ =	sdelay $0x3  }
0x21: {  	s13 =	simm.s32 $0x8200  }
0x22: {  	[tilespmem:s13], [sflag:$0x1] =	stream.indirect_vreg.gather [hbm:s2], $0x80, v0, vm0, $0x38;
	[tilespmem:$0x10200] =	vst v63  }
0x23: {  	s14 =	simm.s32 $0x8600;
	s31 =	simm.s32 $0x10  }
0x24: {  	[tilespmem:s14], [sflag:$0x1] =	stream.indirect_vreg.gather [hbm:s2], $0x80, v0, vm1, $0x38;
	[tilespmem:$0x10200] =	vst v63  }
0x25: {  	s14 =	simm.s32 $0x80;
	v0 =	vld.msk [tilespmem:s31+$0x100 ss:$0x1], $0xffff  }
.LBB2_5:
0x26: {  	p0 =	sne.s32 s14, $0x3C0;
	_ =	sdelay $0x4  }
0x27: {  	vm2 =	vgt.s32 v0, $0x0  }
0x28: {  	v0 =	vnsel vm2, $0x0, v0  }
0x29: {  	v0 =	vmin.u32 v0, $0x1FFF  }
0x2a: {  	v0 =	vshll.u32 v0, $0x4;
	_ =	sdelay $0x3  }
.Ltmp4:
0x2b: {  	s13 =	sadd.s32 $0x800, s13;
	(pc) =	sbr.rel @p0 .LBB2_5-.Ltmp4, $4  }
0x2c: {  	[tilespmem:s13], [sflag:$0x1] =	stream.indirect_vreg.gather [hbm:s2], $0x80, v0, vm0, $0x38;
	[tilespmem:$0x10200] =	vst v63  }
0x2d: {  	s15 =	sshra.s32 s14, $0x2;
	s16 =	sadd.s32 $0x400, s13  }
0x2e: {  	[tilespmem:s16], [sflag:$0x1] =	stream.indirect_vreg.gather [hbm:s2], $0x80, v0, vm1, $0x38;
	[tilespmem:$0x10200] =	vst v63  }
0x2f: {  	s14 =	sadd.s32 $0x40, s14;
	v0 =	vld.msk [tilespmem:s15+$0x100 ss:$0x1], $0xffff  }
0x30: {  	_ =	sdelay $0x3  }
0x31: {  	vm2 =	vgt.s32 v0, $0x0  }
0x32: {  	v0 =	vnsel vm2, $0x0, v0  }
0x33: {  	v0 =	vmin.u32 v0, $0x1FFF  }
0x34: {  	v0 =	vshll.u32 v0, $0x4;
	_ =	sdelay $0x3  }
0x35: {  	s13 =	sadd.s32 $0x800, s13  }
0x36: {  	[tilespmem:s13], [sflag:$0x1] =	stream.indirect_vreg.gather [hbm:s2], $0x80, v0, vm0, $0x38;
	[tilespmem:$0x10200] =	vst v63  }
0x37: {  	s13 =	sadd.s32 $0x400, s13  }
0x38: {  	[tilespmem:s13], [sflag:$0x1] =	stream.indirect_vreg.gather [hbm:s2], $0x80, v0, vm1, $0x38;
	[tilespmem:$0x10200] =	vst v63  }
0x39: {  	s12 =	sshll.u32 s12, $0x4;
	s14 =	simm.s32 $0x80;
	_ =	swait.ge [sflag:s4], $0x8000  }
0x3a: {  	s15 =	simm.s32 $0x8600;
	s12 =	sadd.s32 s12, s7;
	[sflag:s4] =	ssyncset.done $0x0  }
0x3b: {  	s16 =	sadd.s32 $0x0, s12;
	s13 =	simm.s32 $0x8200;
	[sflag:s4] =	ssyncadd.s32 $0xFFFF8000  }
.LBB2_7:
0x3c: {  	[hbm:s16] =	stream.linear.scatter [tilespmem:s13], [sflag:$0x3], $0x400, $0x38;
	[tilespmem:$0x10200] =	vst v63  }
0x3d: {  	s16 =	smov.u32 s14;
	s13 =	smov.u32 s15;
	p0 =	sne.s32 s14, $0xF80  }
.Ltmp5:
0x3e: {  	s14 =	sadd.s32 $0x80, s14;
	(pc) =	sbr.rel @p0 .LBB2_7-.Ltmp5, $2  }
0x3f: {  	_ =	sdelay $0x2  }
0x40: {  	s15 =	sadd.s32 $0x400, s15;
	s16 =	sadd.s32 s16, s12  }
.Ltmp6:
0x41: {  	(pc) =	sbr.rel .LBB2_9-.Ltmp6, $2  }
0x42: {  	_ =	sdelay $0x2  }
0x43: {  	[hbm:s16] =	stream.linear.scatter [tilespmem:s13], [sflag:$0x3], $0x400, $0x38;
	[tilespmem:$0x10200] =	vst v63  }
.LBB2_2:
.Ltmp7:
0x44: {  	(pc) =	sbr.rel .LBB2_10-.Ltmp7, $4  }
0x45: {  	_ = 	snop  }
0x46: {  	s12 =	sshrl.u32 s11, $0x3  }
0x47: {  	s13 =	sand.u32 $0x7, s11;
	s12 =	sadd.s32 s3, s12  }
0x48: {  	[tilespmem:s9], [sflag:$0x2] =	stream.linear.gather [hbm4b:s12+s13], $0x100, $0x38;
	[tilespmem:$0x10200] =	vst v63  }
.LBB2_11:
0x49: {  	s2 =	simm.s32 $0x3  }
0x4a: {  	_ =	swait.ge [sflag:s2], $0x8000  }
0x4b: {  	[sflag:s2] =	ssyncset.done $0x0  }
0x4c: {  	[sflag:s2] =	ssyncadd.s32 $0xFFFF8000  }
0x4d: {  	_ =	sfence.sel $0x180000  }
0x4e: {  	s3 =	simm.s32 $0x2;
	[bflag:$0x0] =	sbarrier.arrive $0xFFFF  }
0x4f: {  	[sflag:s3] =	ssyncpa.u1 $0x1  }
0x50: {  	s31 =	simm.s32 $0x1;
	[sflag:s2] =	ssyncpa.u1 $0x1  }
0x51: {  	[sflag:s31] =	ssyncpa.u1 $0x1  }
0x52: {  	p0 =	sne.s32 s1, $0x0;
	_ =	strace $0x90000047  }
0x53: {  	s0 =	sadd.s32 @!p0 $0x100000, s0;
	[bflag:$0x2] =	sbarrier.arrive $0xFFFF  }
0x54: {  	[sflag:s0] =	ssyncadd.tile.s32 @!p0 $0x1;
	_ =	shalt  }
.Lfunc_end2:
_tile_overlayer_lowered:
.L_overlay_start_2:
0x55: {  	(tag) =	ssettag $0x2  }
0x56: {  	s0 =	rddreg [dreg:$0x0];
	s2 =	stileid.u32  }
0x57: {  	s1 =	rddreg [dreg:$0x1];
	p0 =	sne.s32 s2, $0x0  }
0x58: {  	s3 =	rddreg [dreg:$0x2];
	[bflag:$0x3] =	sbarrier.arrive $0xFFFF;
	s2 =	simm.s32 @!p0 $0x1C01  }
0x59: {  	[timem:s3], [sflag:s2] =	dma.local @!p0 [hbm:s0], s1  }
0x5a: {  	s0 =	simm.s32 @!p0 $0x1  }
0x5b: {  	_ =	swait.ge @!p0 [sflag:s0], s1  }
0x5c: {  	s1 =	ssub.s32 @!p0 $0x0, s1;
	[sflag:s0] =	ssyncset.done @!p0 $0x0  }
0x5d: {  	[sflag:s0] =	ssyncadd.s32 @!p0 s1  }
0x5e: {  	[bflag:$0x3] =	sbarrier.arrive $0xFFFF  }
0x5f: {  	_ =	shalt  }

// kernel: kernel.6.cloned.1.call-start
scs
__scs_entry_jumppad:
0x0: {  	(pc) =	sbr.rel $0x88, $3  }
0x1: {  	(tag) =	ssettag $0x0;
	lr =	simm.s32 $0x1  }
0x2: {  	[smem:$0x3F95] =	sst lr;
	_ =	strace $0xD0000000  }
0x3: {  	_ = 	snop  }
0x4: {  	_ = 	snop  }
0x5: {  	_ = 	snop  }
0x6: {  	_ = 	snop  }
0x7: {  	_ = 	snop  }
__scs_overlays_trampoline_lowered:
0x8: {  	[smem:$0x3FA4] =	sst s0  }
0x9: {  	[smem:$0x3FA5] =	sst s1  }
0xa: {  	[smem:$0x3FA6] =	sst s2  }
0xb: {  	[smem:$0x3FA7] =	sst s3  }
0xc: {  	[smem:$0x3FA8] =	sst s4  }
0xd: {  	[smem:$0x3FA9] =	sst s5  }
0xe: {  	[smem:$0x3FAA] =	sst s6  }
0xf: {  	[smem:$0x3FAB] =	sst s7  }
0x10: {  	[smem:$0x3FAC] =	sst s8  }
0x11: {  	[smem:$0x3FAD] =	sst s9;
	s0 =	simm.s32 @!p0 $0x0  }
0x12: {  	s1 =	sld [smem:$0x3F93];
	s0 =	simm.s32 @p0 $0x1  }
0x13: {  	[smem:$0x3FAE] =	sst s0;
	s0 =	simm.s32 @!p1 $0x0  }
0x14: {  	s2 =	sld [smem:$0x3F92];
	s0 =	simm.s32 @p1 $0x1  }
0x15: {  	[smem:$0x3FAF] =	sst s0;
	s0 =	simm.s32 @!p2 $0x0  }
0x16: {  	s3 =	sld [smem:$0x3FDB];
	s0 =	simm.s32 @p2 $0x1  }
0x17: {  	s4 =	simm.s32 $0x1BF5;
	[smem:$0x3FB1] =	sst s0  }
0x18: {  	s0 =	sld [smem:$0x3F94];
	_ =	swait.ge [sflag:s4], $0x0  }
0x19: {  	s7 =	sld [smem:$0x3F95]  }
0x1a: {  	s8 =	sadd.s32 $0xFFFFE003, lr  }
0x1b: {  	s9 =	sadd.s32 $0xFFFFFEF7, lr;
	s5 =	simm.s32 $0xFFFFFFFF;
	p2 =	slt.u32 s8, $0xFFFFF086  }
0x1c: {  	p1 =	slt.u32 s9, $0xF7A;
	s5 =	simm.s32 @!p2 $0x0  }
0x1d: {  	s5 =	simm.s32 @p1 $0x1;
	p0 =	seq.s32 s7, s2  }
0x1e: {  	s7 =	smul.u32 @!p0 $0xF7A, s2;
	p2 =	seq.s32 @!p0 s5, $0x0  }
0x1f: {  	s9 =	smul.u32 $0xF7A, s1;
	s8 =	simm.s32 @!p0 $0x1BF5;
	p2 =	por !p2, p0  }
0x20: {  	[sflag:s8] =	ssyncset.s32 @!p0 $0xFFFFF086;
	s6 =	sadd.s32 @!p0 s3, s7;
	s7 =	simm.s32 @!p0 $0x108  }
0x21: {  	s3 =	sadd.s32 s3, s9;
	s6 =	sadd.s32 @!p0 $0x88, s6;
	s7 =	simm.s32 @p2 $0x1082  }
0x22: {  	[simem:s7], [sflag:s8] =	dma.local @!p0 [hbm:s6], $0xF7A  }
0x23: {  	s9 =	sor.u32 $0xD0000000, s2;
	s6 =	simm.s32 $0x108;
	_ =	swait.ge @!p0 [sflag:s8], $0x0  }
0x24: {  	s3 =	sadd.s32 $0x88, s3;
	s6 =	simm.s32 @!p1 $0x1082;
	[sflag:s4] =	ssyncset.s32 $0xFFFFF086  }
0x25: {  	[simem:s6], [sflag:s4] =	dma.local [hbm:s3], $0xF7A  }
0x26: {  	[smem:$0x3F95] =	sst s1;
	(tag) =	ssettag s2;
	_ =	strace s9  }
0x27: {  	s1 =	sld [smem:$0x3FA5]  }
0x28: {  	s2 =	sld [smem:$0x3FA6]  }
0x29: {  	s4 =	sld [smem:$0x3FA8]  }
0x2a: {  	p0 =	seq.s32 s5, $0x0;
	s5 =	sld [smem:$0x3FA9]  }
0x2b: {  	s6 =	sld [smem:$0x3FAA]  }
0x2c: {  	s7 =	sld [smem:$0x3FAB]  }
0x2d: {  	s3 =	simm.s32 $0x108;
	s8 =	sld [smem:$0x3FAC]  }
0x2e: {  	s3 =	simm.s32 @!p0 $0x1082;
	s9 =	sld [smem:$0x3FAD]  }
0x2f: {  	lr =	sadd.s32 s0, s3;
	s0 =	sld [smem:$0x3FA4]  }
0x30: {  	s3 =	sld [smem:$0x3FA7]  }
0x31: {  	[smem:$0x3FB0] =	sst s10  }
0x32: {  	s10 =	sld [smem:$0x3FAE];
	_ =	sdelay $0x3  }
0x33: {  	p0 =	seq.s32 s10, $0x1;
	s10 =	sld [smem:$0x3FB0];
	_ =	sdelay $0x3  }
0x34: {  	[smem:$0x3FB0] =	sst s10  }
0x35: {  	s10 =	sld [smem:$0x3FAF];
	_ =	sdelay $0x3  }
0x36: {  	p1 =	seq.s32 s10, $0x1;
	s10 =	sld [smem:$0x3FB0];
	_ =	sdelay $0x3  }
0x37: {  	[smem:$0x3FB0] =	sst s10  }
0x38: {  	s10 =	sld [smem:$0x3FB1]  }
0x39: {  	_ = 	snop;
	(pc) =	sbr.ind lr, $3  }
0x3a: {  	_ = 	snop  }
0x3b: {  	_ = 	snop  }
0x3c: {  	p2 =	seq.s32 s10, $0x1;
	s10 =	sld [smem:$0x3FB0]  }
0x3d: {  	_ =	shalt  }
0x3e: {  	_ =	shalt  }
0x3f: {  	_ =	shalt  }
0x40: {  	_ =	shalt  }
0x41: {  	_ =	shalt  }
0x42: {  	_ =	shalt  }
0x43: {  	_ =	shalt  }
0x44: {  	_ =	shalt  }
0x45: {  	_ =	shalt  }
0x46: {  	_ =	shalt  }
0x47: {  	_ =	shalt  }
0x48: {  	_ =	shalt  }
0x49: {  	_ =	shalt  }
0x4a: {  	_ =	shalt  }
0x4b: {  	_ =	shalt  }
0x4c: {  	_ =	shalt  }
0x4d: {  	_ =	shalt  }
0x4e: {  	_ =	shalt  }
0x4f: {  	_ =	shalt  }
0x50: {  	_ =	shalt  }
0x51: {  	_ =	shalt  }
0x52: {  	_ =	shalt  }
0x53: {  	_ =	shalt  }
0x54: {  	_ =	shalt  }
0x55: {  	_ =	shalt  }
0x56: {  	_ =	shalt  }
0x57: {  	_ =	shalt  }
0x58: {  	_ =	shalt  }
0x59: {  	_ =	shalt  }
0x5a: {  	_ =	shalt  }
0x5b: {  	_ =	shalt  }
0x5c: {  	_ =	shalt  }
0x5d: {  	_ =	shalt  }
0x5e: {  	_ =	shalt  }
0x5f: {  	_ =	shalt  }
0x60: {  	_ =	shalt  }
0x61: {  	_ =	shalt  }
0x62: {  	_ =	shalt  }
0x63: {  	_ =	shalt  }
0x64: {  	_ =	shalt  }
0x65: {  	_ =	shalt  }
0x66: {  	_ =	shalt  }
0x67: {  	_ =	shalt  }
0x68: {  	_ =	shalt  }
0x69: {  	_ =	shalt  }
0x6a: {  	_ =	shalt  }
0x6b: {  	_ =	shalt  }
0x6c: {  	_ =	shalt  }
0x6d: {  	_ =	shalt  }
0x6e: {  	_ =	shalt  }
0x6f: {  	_ =	shalt  }
0x70: {  	_ =	shalt  }
0x71: {  	_ =	shalt  }
0x72: {  	_ =	shalt  }
0x73: {  	_ =	shalt  }
0x74: {  	_ =	shalt  }
0x75: {  	_ =	shalt  }
0x76: {  	_ =	shalt  }
0x77: {  	_ =	shalt  }
0x78: {  	_ =	shalt  }
0x79: {  	_ =	shalt  }
0x7a: {  	_ =	shalt  }
0x7b: {  	_ =	shalt  }
0x7c: {  	_ =	shalt  }
0x7d: {  	_ =	shalt  }
0x7e: {  	_ =	shalt  }
0x7f: {  	_ =	shalt  }
0x80: {  	_ =	shalt  }
0x81: {  	_ =	shalt  }
0x82: {  	_ =	shalt  }
0x83: {  	_ =	shalt  }
0x84: {  	_ =	shalt  }
0x85: {  	_ =	shalt  }
0x86: {  	_ =	shalt  }
0x87: {  	_ =	shalt  }
.Lfunc_end0:
.L_simem_size_0:
called_computation.1_lowered:
.L_overlay_start_0:
0x88: {  	s2 =	sld [smem:$0x3FD9]  }
0x89: {  	s3 =	sld [smem:$0x3FFE];
	_ =	sdelay $0x1  }
0x8a: {  	s1 =	srdreg.scid  }
0x8b: {  	s0 =	sand.u32 $0x1, s1  }
0x8c: {  	s17 =	sshll.u32 s0, $0xA;
	s2 =	sadd.s32 s3, s2  }
0x8d: {  	s2 =	sadd.s32 s2, s17  }
0x8e: {  	[smem:$0x3FBC] =	sst s2  }
0x8f: {  	_ = 	snop  }
0x90: {  	s2 =	sld [smem:$0x3FD0];
	(tm) =	ssettm $0x1  }
0x91: {  	s18 =	sld [smem:$0x3FFB];
	_ =	sdelay $0x3  }
0x92: {  	_ =	strace s18  }
0x93: {  	s3 =	sld [smem:$0x3FFC];
	_ =	sdelay $0x3  }
0x94: {  	_ =	strace s3  }
0x95: {  	s3 =	sld [smem:$0x3FFD];
	_ =	sdelay $0x3  }
0x96: {  	_ =	strace s3  }
0x97: {  	_ =	strace $0x8FFFFFFF  }
0x98: {  	s19 =	sld [smem:$0x3FDB];
	_ =	sdelay $0x1  }
0x99: {  	s4 =	simm.s32 $_scs_section_size  }
0x9a: {  	s5 =	simm.s32 $_size__tile_overlayer_lowered;
	s6 =	simm.s32 $_tile_overlayer_lowered  }
0x9b: {  	s22 =	simm.s32 $0x1BFF;
	s21 =	sshll.u32 s6, $0x1;
	s3 =	sadd.s32 s4, s19  }
0x9c: {  	s7 =	simm.s32 $0x0;
	s20 =	sshll.u32 s5, $0x1;
	s5 =	sadd.s32 s21, s3  }
0x9d: {  	[timem:s7], [sflag:s22] =	dma.local [hbm:s5], s20  }
0x9e: {  	_ =	swait.ge [sflag:s22], s20  }
0x9f: {  	s4 =	ssub.s32 $0x0, s20;
	[sflag:s22] =	ssyncset.done $0x0  }
0xa0: {  	[sflag:s22] =	ssyncadd.s32 s4;
	_ =	sdelay $0x1  }
0xa1: {  	s23 =	simm.s32 $0x1B8B  }
0xa2: {  	_ =	swait.ge [sflag:s23], $0x1  }
0xa3: {  	[sflag:s23] =	ssyncset.done $0x0  }
0xa4: {  	s25 =	simm.s32 $0x1B8E;
	s24 =	sld [smem:$0x3FFE];
	[sflag:s23] =	ssyncadd.s32 $0xFFFFFFFF  }
0xa5: {  	s26 =	simm.s32 $execute0_lowered;
	[smem:$0x3FD2] =	sst s25  }
0xa6: {  	s5 =	sshll.u32 s26, $0x1;
	_ =	strace $0x80000049;
	[dreg:$0x1] =	wrdreg $0xFFFFFFFF  }
0xa7: {  	s28 =	simm.s32 $_size_execute0_lowered;
	s3 =	sadd.s32 s3, s5;
	[dreg:$0x0] =	wrdreg $0x0  }
0xa8: {  	s5 =	sshll.u32 s28, $0x1;
	[dreg:$0x2] =	wrdreg s3  }
0xa9: {  	[dreg:$0x3] =	wrdreg s5  }
0xaa: {  	[dreg:$0x4] =	wrdreg $0xC0  }
0xab: {  	_ =	task [dreg:s7], $0x5FFFF  }
0xac: {  	[dreg:$0x1] =	wrdreg $0xFFFFFFFF  }
0xad: {  	[dreg:$0x0] =	wrdreg $0x60  }
0xae: {  	[dreg:$0x2] =	wrdreg s24  }
0xaf: {  	[dreg:$0x3] =	wrdreg s2  }
0xb0: {  	[dreg:$0x4] =	wrdreg $0x9  }
0xb1: {  	_ =	task.clear_ibuf [dreg:s7], $0x5FFFF;
	_ =	strace $0x90000049  }
0xb2: {  	s29 =	simm.s32 $0x9;
	_ =	strace $0x8000004B  }
0xb3: {  	_ =	swait.ge [sflag:s29], $0x1  }
0xb4: {  	[sflag:s29] =	ssyncadd.s32 $0xFFFFFFFF  }
0xb5: {  	_ =	strace $0x9000004B  }
0xb6: {  	_ =	sfence  }
0xb7: {  	s30 =	sld [smem:$0x0];
	_ =	sdelay $0x2  }
0xb8: {  	s31 =	sshll.u32 s1, $0xD;
	s1 =	sshrl.u32 s1, $0x2  }
0xb9: {  	s3 =	sand.u32 $0x4000, s31;
	s1 =	sadd.s32 s1, s30  }
0xba: {  	s0 =	sor.u32 s3, s0;
	s1 =	sshll.u32 s1, $0x11  }
0xbb: {  	s0 =	sor.u32 s1, s0  }
0xbc: {  	s0 =	sadd.s32 $0x8F2B, s0  }
0xbd: {  	[sflag:s0] =	ssyncadd.remote.s32 $0x1  }
0xbe: {  	_ =	sfence.sel $0xFFFF  }
0xbf: {  	[dreg:$0x0] =	wrdreg $0xFFFFFFFF;
	(pc) =	sbr.abs _section_cstart, $3  }
0xc0: {  	[dreg:$0x1] =	wrdreg $0xFFFFFFFF  }
0xc1: {  	_ =	task.clear_ibuf [dreg:s7], $0x2FFFF;
	_ =	strace $0x9FFFFFFF  }
0xc2: {  	(tm) =	ssettm $0x7FFFFFFF  }
0xc3: {  	_ =	shalt  }
tec
execute0_lowered:
.L_overlay_start_1:
0x0: {  	(tag) =	ssettag $0x1  }
0x1: {  	s1 =	srdreg.scid;
	s0 =	stileid.u32  }
0x2: {  	s28 =	sand.u32 $0x1, s1;
	s29 =	sshll.u32 s0, $0x1  }
0x3: {  	s10 =	sor.u32 s28, s29  }
0x4: {  	s9 =	rddreg [dreg:$0x0];
	s26 =	smul.u32 $0x6200, s10  }
0x5: {  	s25 =	rddreg [dreg:$0x1];
	s2 =	simm.s32 $0x0  }
0x6: {  	s4 =	simm.s32 $0x4;
	[smem:$0x7FF] =	sst s2;
	s3 =	sshrl.u32 s26, $0x3  }
0x7: {  	s1 =	rddreg [dreg:$0x2];
	_ =	strace $0x8000004A;
	s3 =	sadd.s32 s25, s3  }
0x8: {  	[tilespmem:s2], [sflag:$0x4] =	stream.linear.gather [hbm4b:s3+s2], $0xC40, $0x38;
	[tilespmem:$0x1A080] =	vst v63  }
0x9: {  	_ =	swait.ge [sflag:s4], $0xC40  }
0xa: {  	s6 =	simm.s32 $0xC40;
	s7 =	simm.s32 $0x1880;
	[sflag:s4] =	ssyncset.done $0x0  }
0xb: {  	s8 =	simm.s32 $0x1;
	s5 =	sadd.s32 $0x22400, s9;
	[sflag:s4] =	ssyncadd.s32 $0xFFFFF3C0  }
0xc: {  	[tilespmem:s7], [sflag:$0x1] =	stream.indirect.gather [hbm4b:s5+s6], $0x10, s2, s6, $0xb8;
	[tilespmem:$0x1A080] =	vst v63  }
0xd: {  	s10 =	smul.u32 $0xC400, s10;
	_ =	swait.ge [sflag:s8], $0xC400  }
0xe: {  	s29 =	sadd.s32 $0x3AC00, s9;
	s12 =	sadd.s32 $0xC40, s26;
	[sflag:s8] =	ssyncset.done $0x0  }
0xf: {  	s9 =	sadd.s32 s29, s10;
	s30 =	sshrl.u32 s12, $0x3;
	[sflag:s8] =	ssyncadd.s32 $0xFFFF3C00  }
0x10: {  	[hbm4b:s9+s2] =	stream.linear.scatter [tilespmem:s7], [sflag:$0x2], $0xC400, $0x38;
	[tilespmem:$0x1A080] =	vst v63  }
0x11: {  	s10 =	sadd.s32 s25, s30  }
0x12: {  	[tilespmem:s6], [sflag:$0x4] =	stream.linear.gather [hbm4b:s10+s2], $0xC40, $0x38;
	[tilespmem:$0x1A080] =	vst v63  }
0x13: {  	_ =	swait.ge [sflag:s4], $0xC40  }
0x14: {  	[sflag:s4] =	ssyncset.done $0x0  }
0x15: {  	s11 =	simm.s32 $0xDC80;
	[sflag:s4] =	ssyncadd.s32 $0xFFFFF3C0  }
0x16: {  	[tilespmem:s11], [sflag:$0x1] =	stream.indirect.gather [hbm4b:s5+s6], $0x10, s6, s6, $0xb8;
	[tilespmem:$0x1A080] =	vst v63  }
0x17: {  	_ =	swait.ge [sflag:s8], $0xC400  }
0x18: {  	s12 =	sshll.u32 s12, $0x1;
	[sflag:s8] =	ssyncset.done $0x0  }
0x19: {  	s13 =	simm.s32 $0x2;
	s12 =	sadd.s32 s29, s12;
	[sflag:s8] =	ssyncadd.s32 $0xFFFF3C00  }
0x1a: {  	[hbm4b:s12+s2] =	stream.linear.scatter [tilespmem:s11], [sflag:$0x3], $0xC400, $0x38;
	[tilespmem:$0x1A080] =	vst v63  }
0x1b: {  	s15 =	sadd.s32 $0x1880, s26;
	_ =	swait.ge [sflag:s13], $0xC400  }
0x1c: {  	s14 =	sshrl.u32 s15, $0x3;
	[sflag:s13] =	ssyncset.done $0x0  }
0x1d: {  	s14 =	sadd.s32 s25, s14;
	[sflag:s13] =	ssyncadd.s32 $0xFFFF3C00  }
0x1e: {  	[tilespmem:s2], [sflag:$0x4] =	stream.linear.gather [hbm4b:s14+s2], $0xC40, $0x38;
	[tilespmem:$0x1A080] =	vst v63  }
0x1f: {  	_ =	swait.ge [sflag:s4], $0xC40  }
0x20: {  	[sflag:s4] =	ssyncset.done $0x0  }
0x21: {  	[sflag:s4] =	ssyncadd.s32 $0xFFFFF3C0  }
0x22: {  	[tilespmem:s7], [sflag:$0x1] =	stream.indirect.gather [hbm4b:s5+s6], $0x10, s2, s6, $0xb8;
	[tilespmem:$0x1A080] =	vst v63  }
0x23: {  	_ =	swait.ge [sflag:s8], $0xC400  }
0x24: {  	s15 =	sshll.u32 s15, $0x1;
	[sflag:s8] =	ssyncset.done $0x0  }
0x25: {  	s16 =	sadd.s32 s29, s15;
	s15 =	simm.s32 $0x3;
	[sflag:s8] =	ssyncadd.s32 $0xFFFF3C00  }
0x26: {  	[hbm4b:s16+s2] =	stream.linear.scatter [tilespmem:s7], [sflag:$0x2], $0xC400, $0x38;
	[tilespmem:$0x1A080] =	vst v63  }
0x27: {  	s18 =	sadd.s32 $0x24C0, s26;
	_ =	swait.ge [sflag:s15], $0xC400  }
0x28: {  	s17 =	sshrl.u32 s18, $0x3;
	[sflag:s15] =	ssyncset.done $0x0  }
0x29: {  	s17 =	sadd.s32 s25, s17;
	[sflag:s15] =	ssyncadd.s32 $0xFFFF3C00  }
0x2a: {  	[tilespmem:s6], [sflag:$0x4] =	stream.linear.gather [hbm4b:s17+s2], $0xC40, $0x38;
	[tilespmem:$0x1A080] =	vst v63  }
0x2b: {  	_ =	swait.ge [sflag:s4], $0xC40  }
0x2c: {  	[sflag:s4] =	ssyncset.done $0x0  }
0x2d: {  	[sflag:s4] =	ssyncadd.s32 $0xFFFFF3C0  }
0x2e: {  	[tilespmem:s11], [sflag:$0x1] =	stream.indirect.gather [hbm4b:s5+s6], $0x10, s6, s6, $0xb8;
	[tilespmem:$0x1A080] =	vst v63  }
0x2f: {  	_ =	swait.ge [sflag:s8], $0xC400  }
0x30: {  	s18 =	sshll.u32 s18, $0x1;
	[sflag:s8] =	ssyncset.done $0x0  }
0x31: {  	s18 =	sadd.s32 s29, s18;
	[sflag:s8] =	ssyncadd.s32 $0xFFFF3C00  }
0x32: {  	[hbm4b:s18+s2] =	stream.linear.scatter [tilespmem:s11], [sflag:$0x3], $0xC400, $0x38;
	[tilespmem:$0x1A080] =	vst v63  }
0x33: {  	s20 =	sadd.s32 $0x3100, s26;
	_ =	swait.ge [sflag:s13], $0xC400  }
0x34: {  	s19 =	sshrl.u32 s20, $0x3;
	[sflag:s13] =	ssyncset.done $0x0  }
0x35: {  	s19 =	sadd.s32 s25, s19;
	[sflag:s13] =	ssyncadd.s32 $0xFFFF3C00  }
0x36: {  	[tilespmem:s2], [sflag:$0x4] =	stream.linear.gather [hbm4b:s19+s2], $0xC40, $0x38;
	[tilespmem:$0x1A080] =	vst v63  }
0x37: {  	_ =	swait.ge [sflag:s4], $0xC40  }
0x38: {  	[sflag:s4] =	ssyncset.done $0x0  }
0x39: {  	[sflag:s4] =	ssyncadd.s32 $0xFFFFF3C0  }
0x3a: {  	[tilespmem:s7], [sflag:$0x1] =	stream.indirect.gather [hbm4b:s5+s6], $0x10, s2, s6, $0xb8;
	[tilespmem:$0x1A080] =	vst v63  }
0x3b: {  	_ =	swait.ge [sflag:s8], $0xC400  }
0x3c: {  	s20 =	sshll.u32 s20, $0x1;
	[sflag:s8] =	ssyncset.done $0x0  }
0x3d: {  	s20 =	sadd.s32 s29, s20;
	[sflag:s8] =	ssyncadd.s32 $0xFFFF3C00  }
0x3e: {  	[hbm4b:s20+s2] =	stream.linear.scatter [tilespmem:s7], [sflag:$0x2], $0xC400, $0x38;
	[tilespmem:$0x1A080] =	vst v63  }
0x3f: {  	s22 =	sadd.s32 $0x3D40, s26;
	_ =	swait.ge [sflag:s15], $0xC400  }
0x40: {  	s21 =	sshrl.u32 s22, $0x3;
	[sflag:s15] =	ssyncset.done $0x0  }
0x41: {  	s21 =	sadd.s32 s25, s21;
	[sflag:s15] =	ssyncadd.s32 $0xFFFF3C00  }
0x42: {  	[tilespmem:s6], [sflag:$0x4] =	stream.linear.gather [hbm4b:s21+s2], $0xC40, $0x38;
	[tilespmem:$0x1A080] =	vst v63  }
0x43: {  	_ =	swait.ge [sflag:s4], $0xC40  }
0x44: {  	[sflag:s4] =	ssyncset.done $0x0  }
0x45: {  	[sflag:s4] =	ssyncadd.s32 $0xFFFFF3C0  }
0x46: {  	[tilespmem:s11], [sflag:$0x1] =	stream.indirect.gather [hbm4b:s5+s6], $0x10, s6, s6, $0xb8;
	[tilespmem:$0x1A080] =	vst v63  }
0x47: {  	_ =	swait.ge [sflag:s8], $0xC400  }
0x48: {  	s22 =	sshll.u32 s22, $0x1;
	[sflag:s8] =	ssyncset.done $0x0  }
0x49: {  	s22 =	sadd.s32 s29, s22;
	[sflag:s8] =	ssyncadd.s32 $0xFFFF3C00  }
0x4a: {  	[hbm4b:s22+s2] =	stream.linear.scatter [tilespmem:s11], [sflag:$0x3], $0xC400, $0x38;
	[tilespmem:$0x1A080] =	vst v63  }
0x4b: {  	s24 =	sadd.s32 $0x4980, s26;
	_ =	swait.ge [sflag:s13], $0xC400  }
0x4c: {  	s23 =	sshrl.u32 s24, $0x3;
	[sflag:s13] =	ssyncset.done $0x0  }
0x4d: {  	s23 =	sadd.s32 s25, s23;
	[sflag:s13] =	ssyncadd.s32 $0xFFFF3C00  }
0x4e: {  	[tilespmem:s2], [sflag:$0x4] =	stream.linear.gather [hbm4b:s23+s2], $0xC40, $0x38;
	[tilespmem:$0x1A080] =	vst v63  }
0x4f: {  	_ =	swait.ge [sflag:s4], $0xC40  }
0x50: {  	[sflag:s4] =	ssyncset.done $0x0  }
0x51: {  	[sflag:s4] =	ssyncadd.s32 $0xFFFFF3C0  }
0x52: {  	[tilespmem:s7], [sflag:$0x1] =	stream.indirect.gather [hbm4b:s5+s6], $0x10, s2, s6, $0xb8;
	[tilespmem:$0x1A080] =	vst v63  }
0x53: {  	_ =	swait.ge [sflag:s8], $0xC400  }
0x54: {  	s24 =	sshll.u32 s24, $0x1;
	[sflag:s8] =	ssyncset.done $0x0  }
0x55: {  	s24 =	sadd.s32 s29, s24;
	[sflag:s8] =	ssyncadd.s32 $0xFFFF3C00  }
0x56: {  	[hbm4b:s24+s2] =	stream.linear.scatter [tilespmem:s7], [sflag:$0x2], $0xC400, $0x38;
	[tilespmem:$0x1A080] =	vst v63  }
0x57: {  	s26 =	sadd.s32 $0x55C0, s26;
	_ =	swait.ge [sflag:s15], $0xC400  }
0x58: {  	s30 =	sshrl.u32 s26, $0x3;
	[sflag:s15] =	ssyncset.done $0x0  }
0x59: {  	s25 =	sadd.s32 s25, s30;
	[sflag:s15] =	ssyncadd.s32 $0xFFFF3C00  }
0x5a: {  	[tilespmem:s6], [sflag:$0x4] =	stream.linear.gather [hbm4b:s25+s2], $0xC40, $0x38;
	[tilespmem:$0x1A080] =	vst v63  }
0x5b: {  	_ =	swait.ge [sflag:s4], $0xC40  }
0x5c: {  	s28 =	ssub.s32 $0x2, s28;
	[sflag:s4] =	ssyncset.done $0x0  }
0x5d: {  	s31 =	sshrl.u32 s28, $0x1;
	[sflag:s4] =	ssyncadd.s32 $0xFFFFF3C0  }
0x5e: {  	[tilespmem:s11], [sflag:$0x1] =	stream.indirect.gather [hbm4b:s5+s6], $0x10, s6, s6, $0xb8;
	[tilespmem:$0x1A080] =	vst v63  }
0x5f: {  	s28 =	ssub.s32 s28, s31;
	_ =	swait.ge [sflag:s8], $0xC400  }
0x60: {  	s28 =	smax.u32 s28, $0x1;
	s26 =	sshll.u32 s26, $0x1;
	[sflag:s8] =	ssyncset.done $0x0  }
0x61: {  	p0 =	sne.s32 s28, $0x1;
	s26 =	sadd.s32 s29, s26;
	[sflag:s8] =	ssyncadd.s32 $0xFFFF3C00  }
0x62: {  	[hbm4b:s26+s2] =	stream.linear.scatter [tilespmem:s11], [sflag:$0x3], $0xC400, $0x38;
	[tilespmem:$0x1A080] =	vst v63  }
.Ltmp0:
0x63: {  	_ =	swait.ge [sflag:s13], $0xC400;
	(pc) =	sbr.rel @!p0 .LBB2_2-.Ltmp0, $4  }
0x64: {  	[sflag:s13] =	ssyncset.done $0x0  }
0x65: {  	[sflag:s13] =	ssyncadd.s32 $0xFFFF3C00  }
0x66: {  	_ =	swait.ge [sflag:s15], $0xC400  }
0x67: {  	s28 =	sadd.s32 $0xFFFFFFFF, s28;
	[sflag:s15] =	ssyncset.done $0x0  }
.LBB2_1:
0x68: {  	p0 =	sne.s32 s28, $0x1;
	s28 =	sadd.s32 $0xFFFFFFFF, s28;
	[sflag:s15] =	ssyncadd.s32 $0xFFFF3C00  }
0x69: {  	[tilespmem:s2], [sflag:$0x4] =	stream.linear.gather [hbm4b:s3+s2], $0xC40, $0x38;
	[tilespmem:$0x1A080] =	vst v63  }
0x6a: {  	_ =	swait.ge [sflag:s4], $0xC40  }
0x6b: {  	[sflag:s4] =	ssyncset.done $0x0  }
0x6c: {  	[sflag:s4] =	ssyncadd.s32 $0xFFFFF3C0  }
0x6d: {  	[tilespmem:s7], [sflag:$0x1] =	stream.indirect.gather [hbm4b:s5+s6], $0x10, s2, s6, $0xb8;
	[tilespmem:$0x1A080] =	vst v63  }
0x6e: {  	_ =	swait.ge [sflag:s8], $0xC400  }
0x6f: {  	[sflag:s8] =	ssyncset.done $0x0  }
0x70: {  	[sflag:s8] =	ssyncadd.s32 $0xFFFF3C00  }
0x71: {  	[hbm4b:s9+s2] =	stream.linear.scatter [tilespmem:s7], [sflag:$0x2], $0xC400, $0x38;
	[tilespmem:$0x1A080] =	vst v63  }
0x72: {  	_ = 	snop  }
0x73: {  	[tilespmem:s6], [sflag:$0x4] =	stream.linear.gather [hbm4b:s10+s2], $0xC40, $0x38;
	[tilespmem:$0x1A080] =	vst v63  }
0x74: {  	_ =	swait.ge [sflag:s4], $0xC40  }
0x75: {  	[sflag:s4] =	ssyncset.done $0x0  }
0x76: {  	[sflag:s4] =	ssyncadd.s32 $0xFFFFF3C0  }
0x77: {  	[tilespmem:s11], [sflag:$0x1] =	stream.indirect.gather [hbm4b:s5+s6], $0x10, s6, s6, $0xb8;
	[tilespmem:$0x1A080] =	vst v63  }
0x78: {  	_ =	swait.ge [sflag:s8], $0xC400  }
0x79: {  	[sflag:s8] =	ssyncset.done $0x0  }
0x7a: {  	[sflag:s8] =	ssyncadd.s32 $0xFFFF3C00  }
0x7b: {  	[hbm4b:s12+s2] =	stream.linear.scatter [tilespmem:s11], [sflag:$0x3], $0xC400, $0x38;
	[tilespmem:$0x1A080] =	vst v63  }
0x7c: {  	_ =	swait.ge [sflag:s13], $0xC400  }
0x7d: {  	[sflag:s13] =	ssyncset.done $0x0  }
0x7e: {  	[sflag:s13] =	ssyncadd.s32 $0xFFFF3C00  }
0x7f: {  	[tilespmem:s2], [sflag:$0x4] =	stream.linear.gather [hbm4b:s14+s2], $0xC40, $0x38;
	[tilespmem:$0x1A080] =	vst v63  }
0x80: {  	_ =	swait.ge [sflag:s4], $0xC40  }
0x81: {  	[sflag:s4] =	ssyncset.done $0x0  }
0x82: {  	[sflag:s4] =	ssyncadd.s32 $0xFFFFF3C0  }
0x83: {  	[tilespmem:s7], [sflag:$0x1] =	stream.indirect.gather [hbm4b:s5+s6], $0x10, s2, s6, $0xb8;
	[tilespmem:$0x1A080] =	vst v63  }
0x84: {  	_ =	swait.ge [sflag:s8], $0xC400  }
0x85: {  	[sflag:s8] =	ssyncset.done $0x0  }
0x86: {  	[sflag:s8] =	ssyncadd.s32 $0xFFFF3C00  }
0x87: {  	[hbm4b:s16+s2] =	stream.linear.scatter [tilespmem:s7], [sflag:$0x2], $0xC400, $0x38;
	[tilespmem:$0x1A080] =	vst v63  }
0x88: {  	_ =	swait.ge [sflag:s15], $0xC400  }
0x89: {  	[sflag:s15] =	ssyncset.done $0x0  }
0x8a: {  	[sflag:s15] =	ssyncadd.s32 $0xFFFF3C00  }
0x8b: {  	[tilespmem:s6], [sflag:$0x4] =	stream.linear.gather [hbm4b:s17+s2], $0xC40, $0x38;
	[tilespmem:$0x1A080] =	vst v63  }
0x8c: {  	_ =	swait.ge [sflag:s4], $0xC40  }
0x8d: {  	[sflag:s4] =	ssyncset.done $0x0  }
0x8e: {  	[sflag:s4] =	ssyncadd.s32 $0xFFFFF3C0  }
0x8f: {  	[tilespmem:s11], [sflag:$0x1] =	stream.indirect.gather [hbm4b:s5+s6], $0x10, s6, s6, $0xb8;
	[tilespmem:$0x1A080] =	vst v63  }
0x90: {  	_ =	swait.ge [sflag:s8], $0xC400  }
0x91: {  	[sflag:s8] =	ssyncset.done $0x0  }
0x92: {  	[sflag:s8] =	ssyncadd.s32 $0xFFFF3C00  }
0x93: {  	[hbm4b:s18+s2] =	stream.linear.scatter [tilespmem:s11], [sflag:$0x3], $0xC400, $0x38;
	[tilespmem:$0x1A080] =	vst v63  }
0x94: {  	_ =	swait.ge [sflag:s13], $0xC400  }
0x95: {  	[sflag:s13] =	ssyncset.done $0x0  }
0x96: {  	[sflag:s13] =	ssyncadd.s32 $0xFFFF3C00  }
0x97: {  	[tilespmem:s2], [sflag:$0x4] =	stream.linear.gather [hbm4b:s19+s2], $0xC40, $0x38;
	[tilespmem:$0x1A080] =	vst v63  }
0x98: {  	_ =	swait.ge [sflag:s4], $0xC40  }
0x99: {  	[sflag:s4] =	ssyncset.done $0x0  }
0x9a: {  	[sflag:s4] =	ssyncadd.s32 $0xFFFFF3C0  }
0x9b: {  	[tilespmem:s7], [sflag:$0x1] =	stream.indirect.gather [hbm4b:s5+s6], $0x10, s2, s6, $0xb8;
	[tilespmem:$0x1A080] =	vst v63  }
0x9c: {  	_ =	swait.ge [sflag:s8], $0xC400  }
0x9d: {  	[sflag:s8] =	ssyncset.done $0x0  }
0x9e: {  	[sflag:s8] =	ssyncadd.s32 $0xFFFF3C00  }
0x9f: {  	[hbm4b:s20+s2] =	stream.linear.scatter [tilespmem:s7], [sflag:$0x2], $0xC400, $0x38;
	[tilespmem:$0x1A080] =	vst v63  }
0xa0: {  	_ =	swait.ge [sflag:s15], $0xC400  }
0xa1: {  	[sflag:s15] =	ssyncset.done $0x0  }
0xa2: {  	[sflag:s15] =	ssyncadd.s32 $0xFFFF3C00  }
0xa3: {  	[tilespmem:s6], [sflag:$0x4] =	stream.linear.gather [hbm4b:s21+s2], $0xC40, $0x38;
	[tilespmem:$0x1A080] =	vst v63  }
0xa4: {  	_ =	swait.ge [sflag:s4], $0xC40  }
0xa5: {  	[sflag:s4] =	ssyncset.done $0x0  }
0xa6: {  	[sflag:s4] =	ssyncadd.s32 $0xFFFFF3C0  }
0xa7: {  	[tilespmem:s11], [sflag:$0x1] =	stream.indirect.gather [hbm4b:s5+s6], $0x10, s6, s6, $0xb8;
	[tilespmem:$0x1A080] =	vst v63  }
0xa8: {  	_ =	swait.ge [sflag:s8], $0xC400  }
0xa9: {  	[sflag:s8] =	ssyncset.done $0x0  }
0xaa: {  	[sflag:s8] =	ssyncadd.s32 $0xFFFF3C00  }
0xab: {  	[hbm4b:s22+s2] =	stream.linear.scatter [tilespmem:s11], [sflag:$0x3], $0xC400, $0x38;
	[tilespmem:$0x1A080] =	vst v63  }
0xac: {  	_ =	swait.ge [sflag:s13], $0xC400  }
0xad: {  	[sflag:s13] =	ssyncset.done $0x0  }
0xae: {  	[sflag:s13] =	ssyncadd.s32 $0xFFFF3C00  }
0xaf: {  	[tilespmem:s2], [sflag:$0x4] =	stream.linear.gather [hbm4b:s23+s2], $0xC40, $0x38;
	[tilespmem:$0x1A080] =	vst v63  }
0xb0: {  	_ =	swait.ge [sflag:s4], $0xC40  }
0xb1: {  	[sflag:s4] =	ssyncset.done $0x0  }
0xb2: {  	[sflag:s4] =	ssyncadd.s32 $0xFFFFF3C0  }
0xb3: {  	[tilespmem:s7], [sflag:$0x1] =	stream.indirect.gather [hbm4b:s5+s6], $0x10, s2, s6, $0xb8;
	[tilespmem:$0x1A080] =	vst v63  }
0xb4: {  	_ =	swait.ge [sflag:s8], $0xC400  }
0xb5: {  	[sflag:s8] =	ssyncset.done $0x0  }
0xb6: {  	[sflag:s8] =	ssyncadd.s32 $0xFFFF3C00  }
0xb7: {  	[hbm4b:s24+s2] =	stream.linear.scatter [tilespmem:s7], [sflag:$0x2], $0xC400, $0x38;
	[tilespmem:$0x1A080] =	vst v63  }
0xb8: {  	_ =	swait.ge [sflag:s15], $0xC400  }
0xb9: {  	[sflag:s15] =	ssyncset.done $0x0  }
0xba: {  	[sflag:s15] =	ssyncadd.s32 $0xFFFF3C00  }
0xbb: {  	[tilespmem:s6], [sflag:$0x4] =	stream.linear.gather [hbm4b:s25+s2], $0xC40, $0x38;
	[tilespmem:$0x1A080] =	vst v63  }
0xbc: {  	_ =	swait.ge [sflag:s4], $0xC40  }
0xbd: {  	[sflag:s4] =	ssyncset.done $0x0  }
0xbe: {  	[sflag:s4] =	ssyncadd.s32 $0xFFFFF3C0  }
0xbf: {  	[tilespmem:s11], [sflag:$0x1] =	stream.indirect.gather [hbm4b:s5+s6], $0x10, s6, s6, $0xb8;
	[tilespmem:$0x1A080] =	vst v63  }
0xc0: {  	_ =	swait.ge [sflag:s8], $0xC400  }
0xc1: {  	[sflag:s8] =	ssyncset.done $0x0  }
0xc2: {  	[sflag:s8] =	ssyncadd.s32 $0xFFFF3C00  }
0xc3: {  	[hbm4b:s26+s2] =	stream.linear.scatter [tilespmem:s11], [sflag:$0x3], $0xC400, $0x38;
	[tilespmem:$0x1A080] =	vst v63  }
.Ltmp1:
0xc4: {  	_ =	swait.ge [sflag:s13], $0xC400;
	(pc) =	sbr.rel @p0 .LBB2_1-.Ltmp1, $4  }
0xc5: {  	[sflag:s13] =	ssyncset.done $0x0  }
0xc6: {  	[sflag:s13] =	ssyncadd.s32 $0xFFFF3C00  }
0xc7: {  	_ =	swait.ge [sflag:s15], $0xC400  }
0xc8: {  	[sflag:s15] =	ssyncset.done $0x0  }
.LBB2_2:
0xc9: {  	[sflag:s15] =	ssyncadd.s32 $0xFFFF3C00  }
0xca: {  	_ =	sfence.sel $0x180000  }
0xcb: {  	[bflag:$0x0] =	sbarrier.arrive $0xFFFF  }
0xcc: {  	p0 =	sne.s32 s0, $0x0;
	_ =	strace $0x9000004A  }
0xcd: {  	s0 =	sadd.s32 @!p0 $0x100000, s1;
	[bflag:$0x2] =	sbarrier.arrive $0xFFFF  }
0xce: {  	[sflag:s0] =	ssyncadd.tile.s32 @!p0 $0x1;
	_ =	shalt  }
.Lfunc_end2:
_tile_overlayer_lowered:
.L_overlay_start_2:
0xcf: {  	(tag) =	ssettag $0x2  }
0xd0: {  	s0 =	rddreg [dreg:$0x0];
	s2 =	stileid.u32  }
0xd1: {  	s1 =	rddreg [dreg:$0x1];
	p0 =	sne.s32 s2, $0x0  }
0xd2: {  	s3 =	rddreg [dreg:$0x2];
	[bflag:$0x3] =	sbarrier.arrive $0xFFFF;
	s2 =	simm.s32 @!p0 $0x1C04  }
0xd3: {  	[timem:s3], [sflag:s2] =	dma.local @!p0 [hbm:s0], s1  }
0xd4: {  	s0 =	simm.s32 @!p0 $0x4  }
0xd5: {  	_ =	swait.ge @!p0 [sflag:s0], s1  }
0xd6: {  	s1 =	ssub.s32 @!p0 $0x0, s1;
	[sflag:s0] =	ssyncset.done @!p0 $0x0  }
0xd7: {  	[sflag:s0] =	ssyncadd.s32 @!p0 s1  }
0xd8: {  	[bflag:$0x3] =	sbarrier.arrive $0xFFFF  }
0xd9: {  	_ =	shalt  }

</sc_bundles>
